<compile_context>
chip_gen: v7x
topology: tpu7x:2x2x1
jax: 0.10.2.dev20260603
libtpu: 0.0.44.dev20260713+nightly
codegen_flags: <defaults>
</compile_context>

<pallas_src>
import jax
import jax.numpy as jnp
from jax import lax
from jax.experimental import pallas as pl
from jax.experimental.pallas import tpu as pltpu
from jax.experimental.pallas import tpu_sc as plsc

N = 10000
E = 320000
D = 128

NTILES = 32
NSUB = 16
C = 128
TOTCH = E // C
NP = 10240
RPT = NP // NSUB
BR = 512


def _mesh():
    return plsc.VectorSubcoreMesh(core_axis_name="c", subcore_axis_name="s",
                                  num_cores=2, num_subcores=NSUB)


def _chunk_range(gid):
    lo = gid * 78 + jnp.minimum(gid, 2) * 2
    nch = jnp.where(gid < 2, 80, 78)
    return lo, nch


def _deg_body(edges_hbm, ones_hbm, zer_hbm, out_hbm, dst0, dst1, ones_v, acc,
              sem0, sem1):
    c = lax.axis_index("c")
    s = lax.axis_index("s")
    gid = c * NSUB + s
    lo, nch = _chunk_range(gid)
    r0 = s * RPT
    pltpu.sync_copy(zer_hbm, acc.at[pl.ds(r0, RPT)])
    pltpu.sync_copy(ones_hbm, ones_v)
    plsc.subcore_barrier()
    pltpu.async_copy(edges_hbm.at[1, lo], dst0, sem0)

    def body(jj, carry):
        j0 = lo + 2 * jj
        pltpu.async_copy(edges_hbm.at[1, j0 + 1], dst1, sem1)
        pltpu.make_async_copy(edges_hbm.at[1, j0], dst0, sem0).wait()
        pltpu.sync_copy(ones_v, acc.at[dst0], add=True)

        @pl.when(j0 + 2 < lo + nch)
        def _():
            pltpu.async_copy(edges_hbm.at[1, j0 + 2], dst0, sem0)

        pltpu.make_async_copy(edges_hbm.at[1, j0 + 1], dst1, sem1).wait()
        pltpu.sync_copy(ones_v, acc.at[dst1], add=True)
        return carry

    lax.fori_loop(0, nch // 2, body, 0)
    plsc.subcore_barrier()
    pltpu.sync_copy(acc.at[pl.ds(r0, RPT)], out_hbm.at[c, pl.ds(r0, RPT)])


def _deg_call(edges, ones_rows, zer_rows):
    f = pl.kernel(
        _deg_body,
        out_type=jax.ShapeDtypeStruct((2, NP, D), jnp.float32),
        mesh=_mesh(),
        scratch_types=[
            pltpu.VMEM((C,), jnp.int32),
            pltpu.VMEM((C,), jnp.int32),
            pltpu.VMEM((C, D), jnp.float32),
            pltpu.VMEM_SHARED((NP, D), jnp.float32),
            pltpu.SemaphoreType.DMA,
            pltpu.SemaphoreType.DMA,
        ],
    )
    return f(edges, ones_rows, zer_rows)


def _seg_body(g_hbm, edges_hbm, zer_hbm, out_hbm,
              src0, src1, dst0, dst1, buf0, buf1, acc, sem0, sem1):
    c = lax.axis_index("c")
    s = lax.axis_index("s")
    gid = c * NSUB + s
    lo, nch = _chunk_range(gid)
    r0 = s * RPT
    pltpu.sync_copy(zer_hbm, acc.at[pl.ds(r0, RPT)])
    plsc.subcore_barrier()
    pltpu.sync_copy(edges_hbm.at[0, lo], src0)
    pltpu.sync_copy(edges_hbm.at[1, lo], dst0)
    pltpu.async_copy(g_hbm.at[src0], buf0, sem0)

    def body(jj, carry):
        j0 = lo + 2 * jj
        pltpu.sync_copy(edges_hbm.at[0, j0 + 1], src1)
        pltpu.sync_copy(edges_hbm.at[1, j0 + 1], dst1)
        pltpu.async_copy(g_hbm.at[src1], buf1, sem1)
        pltpu.make_async_copy(g_hbm.at[src0], buf0, sem0).wait()
        pltpu.sync_copy(buf0, acc.at[dst0], add=True)

        @pl.when(j0 + 2 < lo + nch)
        def _():
            pltpu.sync_copy(edges_hbm.at[0, j0 + 2], src0)
            pltpu.sync_copy(edges_hbm.at[1, j0 + 2], dst0)
            pltpu.async_copy(g_hbm.at[src0], buf0, sem0)

        pltpu.make_async_copy(g_hbm.at[src1], buf1, sem1).wait()
        pltpu.sync_copy(buf1, acc.at[dst1], add=True)
        return carry

    lax.fori_loop(0, nch // 2, body, 0)
    plsc.subcore_barrier()
    pltpu.sync_copy(acc.at[pl.ds(r0, RPT)], out_hbm.at[c, pl.ds(r0, RPT)])


def _seg_call(g, edges, zer_rows):
    f = pl.kernel(
        _seg_body,
        out_type=jax.ShapeDtypeStruct((2, NP, D), jnp.float32),
        mesh=_mesh(),
        scratch_types=[
            pltpu.VMEM((C,), jnp.int32),
            pltpu.VMEM((C,), jnp.int32),
            pltpu.VMEM((C,), jnp.int32),
            pltpu.VMEM((C,), jnp.int32),
            pltpu.VMEM((C, D), jnp.float32),
            pltpu.VMEM((C, D), jnp.float32),
            pltpu.VMEM_SHARED((NP, D), jnp.float32),
            pltpu.SemaphoreType.DMA,
            pltpu.SemaphoreType.DMA,
        ],
    )
    return f(g, edges, zer_rows)


def _dinv_of(degp):
    deg = degp[0, :, 0:1] + degp[1, :, 0:1] + 1.0
    return lax.rsqrt(deg)


def _k1a_body(x_ref, w_ref, o_ref):
    o_ref[...] = jnp.dot(x_ref[...], w_ref[...],
                         preferred_element_type=jnp.float32)


def _k1a_call(xp, W1):
    return pl.pallas_call(
        _k1a_body,
        grid=(NP // BR,),
        in_specs=[
            pl.BlockSpec((BR, D), lambda i: (i, 0)),
            pl.BlockSpec((D, D), lambda i: (0, 0)),
        ],
        out_specs=pl.BlockSpec((BR, D), lambda i: (i, 0)),
        out_shape=jax.ShapeDtypeStruct((NP, D), jnp.float32),
    )(xp, W1)


def _k1b_body(xw_ref, degp_ref, o_ref):
    dinv = _dinv_of(degp_ref[...])
    o_ref[...] = dinv * xw_ref[...]


def _k1b_call(xw, degp):
    return pl.pallas_call(
        _k1b_body,
        grid=(NP // BR,),
        in_specs=[
            pl.BlockSpec((BR, D), lambda i: (i, 0)),
            pl.BlockSpec((2, BR, D), lambda i: (0, i, 0)),
        ],
        out_specs=pl.BlockSpec((BR, D), lambda i: (i, 0)),
        out_shape=jax.ShapeDtypeStruct((NP, D), jnp.float32),
    )(xw, degp)


def _k2_body(part_ref, g1_ref, degp_ref, b_ref, w_ref, o_ref):
    i = pl.program_id(0)
    dinv = _dinv_of(degp_ref[...])
    p = part_ref[...]
    ssum = p[0] + p[1] + g1_ref[...]
    h = jnp.maximum(dinv * ssum + b_ref[...], 0.0)
    rows = i * BR + lax.broadcasted_iota(jnp.int32, (BR, 1), 0)
    h = jnp.where(rows < N, h, 0.0)
    o_ref[...] = dinv * jnp.dot(h, w_ref[...],
                                preferred_element_type=jnp.float32)


def _k2_call(part, g1, degp, b, W):
    return pl.pallas_call(
        _k2_body,
        grid=(NP // BR,),
        in_specs=[
            pl.BlockSpec((2, BR, D), lambda i: (0, i, 0)),
            pl.BlockSpec((BR, D), lambda i: (i, 0)),
            pl.BlockSpec((2, BR, D), lambda i: (0, i, 0)),
            pl.BlockSpec((1, D), lambda i: (0, 0)),
            pl.BlockSpec((D, D), lambda i: (0, 0)),
        ],
        out_specs=pl.BlockSpec((BR, D), lambda i: (i, 0)),
        out_shape=jax.ShapeDtypeStruct((NP, D), jnp.float32),
    )(part, g1, degp, b, W)


def _k3_body(part_ref, g2_ref, degp_ref, b_ref, lw_ref, lb_ref, o_ref):
    dinv = _dinv_of(degp_ref[...])
    p = part_ref[...]
    ssum = p[0] + p[1] + g2_ref[...]
    h = jnp.maximum(dinv * ssum + b_ref[...], 0.0)
    o_ref[...] = jnp.sum(h * lw_ref[...], axis=1, keepdims=True) + lb_ref[0, 0]


def _k3_call(part, g2, degp, b, lw_row, lb):
    return pl.pallas_call(
        _k3_body,
        grid=(NP // BR,),
        in_specs=[
            pl.BlockSpec((2, BR, D), lambda i: (0, i, 0)),
            pl.BlockSpec((BR, D), lambda i: (i, 0)),
            pl.BlockSpec((2, BR, D), lambda i: (0, i, 0)),
            pl.BlockSpec((1, D), lambda i: (0, 0)),
            pl.BlockSpec((1, D), lambda i: (0, 0)),
            pl.BlockSpec((1, 1), lambda i: (0, 0)),
        ],
        out_specs=pl.BlockSpec((BR, 1), lambda i: (i, 0)),
        out_shape=jax.ShapeDtypeStruct((NP, 1), jnp.float32),
    )(part, g2, degp, b, lw_row, lb)


def kernel(x, edge_index, W1, b1, W2, b2, lin_W, lin_b):
    edges = edge_index.reshape(2, TOTCH, C)
    xp = jnp.pad(x, ((0, NP - N), (0, 0)))
    ones_rows = jnp.ones((C, D), jnp.float32)
    zer128 = jnp.zeros((RPT, D), jnp.float32)

    degp = _deg_call(edges, ones_rows, zer128)
    xw1 = _k1a_call(xp, W1)
    g1 = _k1b_call(xw1, degp)
    part1 = _seg_call(g1, edges, zer128)
    g2 = _k2_call(part1, g1, degp, b1.reshape(1, D), W2)
    part2 = _seg_call(g2, edges, zer128)
    o = _k3_call(part2, g2, degp, b2.reshape(1, D),
                 lin_W.reshape(1, D), lin_b.reshape(1, 1))
    return o[:N, 0]

# --- scband reference (transcript-rebuilt; emitter-appended) ---
"""Pipeline reference for scband-disassembly-gnn-29403346108948 (READ-ONLY COPY).

The authoritative reference and input builder live on the scoring server;
editing this copy changes nothing except your own understanding.
"""

import jax, jax.numpy as jnp
import numpy as np

N = 10000
E = 320000
D = 128
H = 128


def setup_inputs(seed: int = 0) -> dict:
    key = jax.random.key(seed)
    ks = jax.random.split(key, 8)
    x = jax.random.normal(ks[0], (N, D), dtype=jnp.float32)
    edge_index = jax.random.randint(ks[1], (2, E), 0, N, dtype=jnp.int32)
    W1 = jax.random.normal(ks[2], (D, H), dtype=jnp.float32) * (1.0 / np.sqrt(D))
    b1 = jnp.zeros((H,), dtype=jnp.float32)
    W2 = jax.random.normal(ks[3], (H, H), dtype=jnp.float32) * (1.0 / np.sqrt(H))
    b2 = jnp.zeros((H,), dtype=jnp.float32)
    lin_W = jax.random.normal(ks[4], (H, 1), dtype=jnp.float32) * (1.0 / np.sqrt(H))
    lin_b = jnp.zeros((1,), dtype=jnp.float32)
    return {"x": x, "edge_index": edge_index, "W1": W1, "b1": b1, "W2": W2, "b2": b2, "lin_W": lin_W, "lin_b": lin_b}


def gcn_conv(x, edge_index, W, b):
    # PyG GCNConv: add self-loops, symmetric D^{-1/2}(A+I)D^{-1/2} normalization,
    # linear transform, scatter-add aggregation, bias.
    num_nodes = x.shape[0]
    loop = jnp.arange(num_nodes, dtype=edge_index.dtype)
    src = jnp.concatenate([edge_index[0], loop])
    dst = jnp.concatenate([edge_index[1], loop])
    h = x @ W
    deg = jnp.zeros((num_nodes,), dtype=h.dtype).at[dst].add(1.0)
    dinv = jnp.where(deg > 0, jax.lax.rsqrt(deg), 0.0)
    norm = dinv[src] * dinv[dst]
    msg = h[src] * norm[:, None]
    out = jnp.zeros((num_nodes, h.shape[1]), dtype=h.dtype).at[dst].add(msg)
    return out + b


def reference(x, edge_index, W1, b1, W2, b2, lin_W, lin_b):
    h = jax.nn.relu(gcn_conv(x, edge_index, W1, b1))
    h = jax.nn.relu(gcn_conv(h, edge_index, W2, b2))
    out = (h @ lin_W + lin_b).squeeze(-1)
    return out

if __name__ == "__main__":
    import jax
    _d = setup_inputs()
    print(jax.jit(kernel)(*tuple(_d.values())))

</pallas_src>

<mosaic_0001>
#map = affine_map<(d0, d1) -> (0, 0)>
#map1 = affine_map<(d0, d1) -> (0, 0, 0)>
module attributes {stable_mosaic.version = 14 : i64} {
  func.func @_seg_body(%arg0: i32, %arg1: i32, %arg2: memref<10240x128xf32, #tpu.memory_space<hbm>>, %arg3: memref<2x2500x128xi32, #tpu.memory_space<hbm>>, %arg4: memref<640x128xf32, #tpu.memory_space<hbm>>, %arg5: memref<2x10240x128xf32, #tpu.memory_space<hbm>>, %arg6: memref<128xi32, #tpu.memory_space<vmem>>, %arg7: memref<128xi32, #tpu.memory_space<vmem>>, %arg8: memref<128xi32, #tpu.memory_space<vmem>>, %arg9: memref<128xi32, #tpu.memory_space<vmem>>, %arg10: memref<128x128xf32, #tpu.memory_space<vmem>>, %arg11: memref<128x128xf32, #tpu.memory_space<vmem>>, %arg12: memref<10240x128xf32, #tpu.memory_space<vmem_shared>>, %arg13: memref<!tpu.dma_semaphore, #tpu.memory_space<semaphore_mem>>, %arg14: memref<!tpu.dma_semaphore, #tpu.memory_space<semaphore_mem>>) attributes {dimension_semantics = [#tpu.dimension_semantics<core_parallel>, #tpu.dimension_semantics<subcore_parallel>], iteration_bounds = array<i64: 2, 16>, scalar_prefetch = 0 : i64, scratch_operands = 9 : i64, tpu.core_type = #tpu.core_type<sc_vector_subcore>, window_params = [{transform_indices = #map}, {transform_indices = #map1}, {transform_indices = #map}, {transform_indices = #map1}]} {
    %mul3A = arith.constant 16 : i32
    %mul3A_0 = arith.muli %arg0, %mul3A : i32
    %add3A = arith.addi %mul3A_0, %arg1 : i32
    %mul3A_1 = arith.constant 78 : i32
    %mul3A_2 = arith.muli %add3A, %mul3A_1 : i32
    %min3A = arith.constant 2 : i32
    %min3A_3 = arith.minsi %add3A, %min3A : i32
    %mul3A_4 = arith.constant 2 : i32
    %mul3A_5 = arith.muli %min3A_3, %mul3A_4 : i32
    %add3A_6 = arith.addi %mul3A_2, %mul3A_5 : i32
    %lt3A = arith.constant 2 : i32
    %lt3A_7 = arith.cmpi slt, %add3A, %lt3A : i32
    %jit3A = arith.constant 80 : i32
    %jit3A_8 = arith.constant 78 : i32
    %select_n3A = arith.select %lt3A_7, %jit3A, %jit3A_8 : i32
    %mul3A_9 = arith.constant 640 : i32
    %mul3A_10 = arith.muli %arg1, %mul3A_9 : i32
    "tpu.region"() ({
      %run_scoped3A_42 = tpu.sem_alloc : memref<!tpu.dma_semaphore, #tpu.memory_space<semaphore_mem>>
      %dma_start3A_43 = arith.constant 0 : i32
      %dma_start3A_44 = tpu.memref_slice %arg12[%mul3A_10, %dma_start3A_43] : memref<10240x128xf32, #tpu.memory_space<vmem_shared>> -> memref<640x128xf32, #tpu.memory_space<vmem_shared>>
      tpu.enqueue_dma source(%arg4 : memref<640x128xf32, #tpu.memory_space<hbm>>) target(%dma_start3A_44 : memref<640x128xf32, #tpu.memory_space<vmem_shared>>) target_semaphore(%run_scoped3A_42 : memref<!tpu.dma_semaphore, #tpu.memory_space<semaphore_mem>>)
      %dma_wait3A = arith.constant 0 : i32
      %dma_wait3A_45 = tpu.memref_slice %arg12[%mul3A_10, %dma_wait3A] : memref<10240x128xf32, #tpu.memory_space<vmem_shared>> -> memref<640x128xf32, #tpu.memory_space<vmem_shared>>
      tpu.wait_dma2 semaphore(%run_scoped3A_42 : memref<!tpu.dma_semaphore, #tpu.memory_space<semaphore_mem>>) src(%arg4 : memref<640x128xf32, #tpu.memory_space<hbm>>) dst(%dma_wait3A_45 : memref<640x128xf32, #tpu.memory_space<vmem_shared>>)
      tpu.yield
    }) : () -> ()
    %barrier3A = arith.constant 0 : index
    tpu.barrier barrier_id(%barrier3A)
    %run_scoped3A = arith.constant 0 : i32
    "tpu.region"() ({
      %run_scoped3A_42 = tpu.sem_alloc : memref<!tpu.dma_semaphore, #tpu.memory_space<semaphore_mem>>
      %dma_start3A_43 = arith.constant 0 : i32
      %dma_start3A_44 = tpu.memref_slice %arg3[%run_scoped3A, %add3A_6, %dma_start3A_43] : memref<2x2500x128xi32, #tpu.memory_space<hbm>> -> memref<1x1x128xi32, #tpu.memory_space<hbm>>
      %dma_start3A_45 = tpu.memref_squeeze %dma_start3A_44 : memref<1x1x128xi32, #tpu.memory_space<hbm>> -> memref<128xi32, #tpu.memory_space<hbm>>
      %dma_start3A_46 = arith.constant 0 : i32
      %dma_start3A_47 = tpu.memref_slice %arg3[%run_scoped3A, %add3A_6, %dma_start3A_46] : memref<2x2500x128xi32, #tpu.memory_space<hbm>> -> memref<1x1x128xi32, #tpu.memory_space<hbm>>
      %dma_start3A_48 = tpu.memref_squeeze %dma_start3A_47 : memref<1x1x128xi32, #tpu.memory_space<hbm>> -> memref<128xi32, #tpu.memory_space<hbm>>
      tpu.enqueue_dma source(%dma_start3A_48 : memref<128xi32, #tpu.memory_space<hbm>>) target(%arg6 : memref<128xi32, #tpu.memory_space<vmem>>) target_semaphore(%run_scoped3A_42 : memref<!tpu.dma_semaphore, #tpu.memory_space<semaphore_mem>>)
      %dma_wait3A = arith.constant 0 : i32
      %dma_wait3A_49 = tpu.memref_slice %arg3[%run_scoped3A, %add3A_6, %dma_wait3A] : memref<2x2500x128xi32, #tpu.memory_space<hbm>> -> memref<1x1x128xi32, #tpu.memory_space<hbm>>
      %dma_wait3A_50 = tpu.memref_squeeze %dma_wait3A_49 : memref<1x1x128xi32, #tpu.memory_space<hbm>> -> memref<128xi32, #tpu.memory_space<hbm>>
      %dma_wait3A_51 = arith.constant 0 : i32
      %dma_wait3A_52 = tpu.memref_slice %arg3[%run_scoped3A, %add3A_6, %dma_wait3A_51] : memref<2x2500x128xi32, #tpu.memory_space<hbm>> -> memref<1x1x128xi32, #tpu.memory_space<hbm>>
      %dma_wait3A_53 = tpu.memref_squeeze %dma_wait3A_52 : memref<1x1x128xi32, #tpu.memory_space<hbm>> -> memref<128xi32, #tpu.memory_space<hbm>>
      tpu.wait_dma2 semaphore(%run_scoped3A_42 : memref<!tpu.dma_semaphore, #tpu.memory_space<semaphore_mem>>) src(%dma_wait3A_53 : memref<128xi32, #tpu.memory_space<hbm>>) dst(%arg6 : memref<128xi32, #tpu.memory_space<vmem>>)
      tpu.yield
    }) : () -> ()
    %run_scoped3A_11 = arith.constant 1 : i32
    "tpu.region"() ({
      %run_scoped3A_42 = tpu.sem_alloc : memref<!tpu.dma_semaphore, #tpu.memory_space<semaphore_mem>>
      %dma_start3A_43 = arith.constant 0 : i32
      %dma_start3A_44 = tpu.memref_slice %arg3[%run_scoped3A_11, %add3A_6, %dma_start3A_43] : memref<2x2500x128xi32, #tpu.memory_space<hbm>> -> memref<1x1x128xi32, #tpu.memory_space<hbm>>
      %dma_start3A_45 = tpu.memref_squeeze %dma_start3A_44 : memref<1x1x128xi32, #tpu.memory_space<hbm>> -> memref<128xi32, #tpu.memory_space<hbm>>
      %dma_start3A_46 = arith.constant 0 : i32
      %dma_start3A_47 = tpu.memref_slice %arg3[%run_scoped3A_11, %add3A_6, %dma_start3A_46] : memref<2x2500x128xi32, #tpu.memory_space<hbm>> -> memref<1x1x128xi32, #tpu.memory_space<hbm>>
      %dma_start3A_48 = tpu.memref_squeeze %dma_start3A_47 : memref<1x1x128xi32, #tpu.memory_space<hbm>> -> memref<128xi32, #tpu.memory_space<hbm>>
      tpu.enqueue_dma source(%dma_start3A_48 : memref<128xi32, #tpu.memory_space<hbm>>) target(%arg8 : memref<128xi32, #tpu.memory_space<vmem>>) target_semaphore(%run_scoped3A_42 : memref<!tpu.dma_semaphore, #tpu.memory_space<semaphore_mem>>)
      %dma_wait3A = arith.constant 0 : i32
      %dma_wait3A_49 = tpu.memref_slice %arg3[%run_scoped3A_11, %add3A_6, %dma_wait3A] : memref<2x2500x128xi32, #tpu.memory_space<hbm>> -> memref<1x1x128xi32, #tpu.memory_space<hbm>>
      %dma_wait3A_50 = tpu.memref_squeeze %dma_wait3A_49 : memref<1x1x128xi32, #tpu.memory_space<hbm>> -> memref<128xi32, #tpu.memory_space<hbm>>
      %dma_wait3A_51 = arith.constant 0 : i32
      %dma_wait3A_52 = tpu.memref_slice %arg3[%run_scoped3A_11, %add3A_6, %dma_wait3A_51] : memref<2x2500x128xi32, #tpu.memory_space<hbm>> -> memref<1x1x128xi32, #tpu.memory_space<hbm>>
      %dma_wait3A_53 = tpu.memref_squeeze %dma_wait3A_52 : memref<1x1x128xi32, #tpu.memory_space<hbm>> -> memref<128xi32, #tpu.memory_space<hbm>>
      tpu.wait_dma2 semaphore(%run_scoped3A_42 : memref<!tpu.dma_semaphore, #tpu.memory_space<semaphore_mem>>) src(%dma_wait3A_53 : memref<128xi32, #tpu.memory_space<hbm>>) dst(%arg8 : memref<128xi32, #tpu.memory_space<vmem>>)
      tpu.yield
    }) : () -> ()
    %dma_start3A = arith.constant 0 : i32
    %dma_start3A_12 = arith.constant 0 : i32
    %dma_start3A_13 = tpu.memref_slice %arg2[%dma_start3A, %dma_start3A_12] : memref<10240x128xf32, #tpu.memory_space<hbm>> -> memref<10240x128xf32, #tpu.memory_space<hbm>>
    tpu.enqueue_indirect_dma source(%dma_start3A_13 : memref<10240x128xf32, #tpu.memory_space<hbm>>) target(%arg10 : memref<128x128xf32, #tpu.memory_space<vmem>>) offsets(%arg6 : memref<128xi32, #tpu.memory_space<vmem>>) semaphore(%arg13 : memref<!tpu.dma_semaphore, #tpu.memory_space<semaphore_mem>>)
    %jit3A_14 = arith.constant 2 : i32
    %div3A = arith.divsi %select_n3A, %jit3A_14 : i32
    %sign3A = arith.constant 0 : i32
    %sign3A_15 = arith.cmpi sgt, %select_n3A, %sign3A : i32
    %sign3A_16 = arith.extui %sign3A_15 : i1 to i32
    %sign3A_17 = arith.constant 0 : i32
    %sign3A_18 = arith.cmpi slt, %select_n3A, %sign3A_17 : i32
    %sign3A_19 = arith.extui %sign3A_18 : i1 to i32
    %sign3A_20 = arith.subi %sign3A_16, %sign3A_19 : i32
    %sign3A_21 = arith.constant 0 : i32
    %sign3A_22 = arith.cmpi sgt, %jit3A_14, %sign3A_21 : i32
    %sign3A_23 = arith.extui %sign3A_22 : i1 to i32
    %sign3A_24 = arith.constant 0 : i32
    %sign3A_25 = arith.cmpi slt, %jit3A_14, %sign3A_24 : i32
    %sign3A_26 = arith.extui %sign3A_25 : i1 to i32
    %sign3A_27 = arith.subi %sign3A_23, %sign3A_26 : i32
    %ne3A = arith.cmpi ne, %sign3A_20, %sign3A_27 : i32
    %rem3A = arith.remsi %select_n3A, %jit3A_14 : i32
    %ne3A_28 = arith.constant 0 : i32
    %ne3A_29 = arith.cmpi ne, %rem3A, %ne3A_28 : i32
    %and3A = arith.andi %ne3A, %ne3A_29 : i1
    %sub3A = arith.constant 1 : i32
    %sub3A_30 = arith.subi %div3A, %sub3A : i32
    %select_n3A_31 = arith.select %and3A, %sub3A_30, %div3A : i32
    %while3A = arith.constant 0 : i32
    %while3A_32 = arith.constant 0 : i32
    %while3A_33 = arith.subi %select_n3A_31, %while3A_32 : i32
    %while3A_34 = arith.addi %while3A_32, %while3A_33 : i32
    %while3A_35 = arith.constant 1 : i32
    %while3A_36 = arith.divsi %while3A_33, %while3A_35 : i32
    %while3A_37 = arith.muli %while3A_36, %while3A_35 : i32
    %while3A_38 = arith.addi %while3A_32, %while3A_37 : i32
    %while3A_39 = arith.constant 1 : i32
    scf.for %while3A_42 = %while3A_32 to %while3A_38 step %while3A_39  : i32 {
      %mul3A_43 = arith.constant 2 : i32
      %mul3A_44 = arith.muli %mul3A_43, %while3A_42 : i32
      %add3A_45 = arith.addi %add3A_6, %mul3A_44 : i32
      %add3A_46 = arith.constant 1 : i32
      %add3A_47 = arith.addi %add3A_45, %add3A_46 : i32
      %run_scoped3A_48 = arith.constant 0 : i32
      "tpu.region"() ({
        %run_scoped3A_65 = tpu.sem_alloc : memref<!tpu.dma_semaphore, #tpu.memory_space<semaphore_mem>>
        %dma_start3A_66 = arith.constant 0 : i32
        %dma_start3A_67 = tpu.memref_slice %arg3[%run_scoped3A_48, %add3A_47, %dma_start3A_66] : memref<2x2500x128xi32, #tpu.memory_space<hbm>> -> memref<1x1x128xi32, #tpu.memory_space<hbm>>
        %dma_start3A_68 = tpu.memref_squeeze %dma_start3A_67 : memref<1x1x128xi32, #tpu.memory_space<hbm>> -> memref<128xi32, #tpu.memory_space<hbm>>
        %dma_start3A_69 = arith.constant 0 : i32
        %dma_start3A_70 = tpu.memref_slice %arg3[%run_scoped3A_48, %add3A_47, %dma_start3A_69] : memref<2x2500x128xi32, #tpu.memory_space<hbm>> -> memref<1x1x128xi32, #tpu.memory_space<hbm>>
        %dma_start3A_71 = tpu.memref_squeeze %dma_start3A_70 : memref<1x1x128xi32, #tpu.memory_space<hbm>> -> memref<128xi32, #tpu.memory_space<hbm>>
        tpu.enqueue_dma source(%dma_start3A_71 : memref<128xi32, #tpu.memory_space<hbm>>) target(%arg7 : memref<128xi32, #tpu.memory_space<vmem>>) target_semaphore(%run_scoped3A_65 : memref<!tpu.dma_semaphore, #tpu.memory_space<semaphore_mem>>)
        %dma_wait3A_72 = arith.constant 0 : i32
        %dma_wait3A_73 = tpu.memref_slice %arg3[%run_scoped3A_48, %add3A_47, %dma_wait3A_72] : memref<2x2500x128xi32, #tpu.memory_space<hbm>> -> memref<1x1x128xi32, #tpu.memory_space<hbm>>
        %dma_wait3A_74 = tpu.memref_squeeze %dma_wait3A_73 : memref<1x1x128xi32, #tpu.memory_space<hbm>> -> memref<128xi32, #tpu.memory_space<hbm>>
        %dma_wait3A_75 = arith.constant 0 : i32
        %dma_wait3A_76 = tpu.memref_slice %arg3[%run_scoped3A_48, %add3A_47, %dma_wait3A_75] : memref<2x2500x128xi32, #tpu.memory_space<hbm>> -> memref<1x1x128xi32, #tpu.memory_space<hbm>>
        %dma_wait3A_77 = tpu.memref_squeeze %dma_wait3A_76 : memref<1x1x128xi32, #tpu.memory_space<hbm>> -> memref<128xi32, #tpu.memory_space<hbm>>
        tpu.wait_dma2 semaphore(%run_scoped3A_65 : memref<!tpu.dma_semaphore, #tpu.memory_space<semaphore_mem>>) src(%dma_wait3A_77 : memref<128xi32, #tpu.memory_space<hbm>>) dst(%arg7 : memref<128xi32, #tpu.memory_space<vmem>>)
        tpu.yield
      }) : () -> ()
      %add3A_49 = arith.constant 1 : i32
      %add3A_50 = arith.addi %add3A_45, %add3A_49 : i32
      %run_scoped3A_51 = arith.constant 1 : i32
      "tpu.region"() ({
        %run_scoped3A_65 = tpu.sem_alloc : memref<!tpu.dma_semaphore, #tpu.memory_space<semaphore_mem>>
        %dma_start3A_66 = arith.constant 0 : i32
        %dma_start3A_67 = tpu.memref_slice %arg3[%run_scoped3A_51, %add3A_50, %dma_start3A_66] : memref<2x2500x128xi32, #tpu.memory_space<hbm>> -> memref<1x1x128xi32, #tpu.memory_space<hbm>>
        %dma_start3A_68 = tpu.memref_squeeze %dma_start3A_67 : memref<1x1x128xi32, #tpu.memory_space<hbm>> -> memref<128xi32, #tpu.memory_space<hbm>>
        %dma_start3A_69 = arith.constant 0 : i32
        %dma_start3A_70 = tpu.memref_slice %arg3[%run_scoped3A_51, %add3A_50, %dma_start3A_69] : memref<2x2500x128xi32, #tpu.memory_space<hbm>> -> memref<1x1x128xi32, #tpu.memory_space<hbm>>
        %dma_start3A_71 = tpu.memref_squeeze %dma_start3A_70 : memref<1x1x128xi32, #tpu.memory_space<hbm>> -> memref<128xi32, #tpu.memory_space<hbm>>
        tpu.enqueue_dma source(%dma_start3A_71 : memref<128xi32, #tpu.memory_space<hbm>>) target(%arg9 : memref<128xi32, #tpu.memory_space<vmem>>) target_semaphore(%run_scoped3A_65 : memref<!tpu.dma_semaphore, #tpu.memory_space<semaphore_mem>>)
        %dma_wait3A_72 = arith.constant 0 : i32
        %dma_wait3A_73 = tpu.memref_slice %arg3[%run_scoped3A_51, %add3A_50, %dma_wait3A_72] : memref<2x2500x128xi32, #tpu.memory_space<hbm>> -> memref<1x1x128xi32, #tpu.memory_space<hbm>>
        %dma_wait3A_74 = tpu.memref_squeeze %dma_wait3A_73 : memref<1x1x128xi32, #tpu.memory_space<hbm>> -> memref<128xi32, #tpu.memory_space<hbm>>
        %dma_wait3A_75 = arith.constant 0 : i32
        %dma_wait3A_76 = tpu.memref_slice %arg3[%run_scoped3A_51, %add3A_50, %dma_wait3A_75] : memref<2x2500x128xi32, #tpu.memory_space<hbm>> -> memref<1x1x128xi32, #tpu.memory_space<hbm>>
        %dma_wait3A_77 = tpu.memref_squeeze %dma_wait3A_76 : memref<1x1x128xi32, #tpu.memory_space<hbm>> -> memref<128xi32, #tpu.memory_space<hbm>>
        tpu.wait_dma2 semaphore(%run_scoped3A_65 : memref<!tpu.dma_semaphore, #tpu.memory_space<semaphore_mem>>) src(%dma_wait3A_77 : memref<128xi32, #tpu.memory_space<hbm>>) dst(%arg9 : memref<128xi32, #tpu.memory_space<vmem>>)
        tpu.yield
      }) : () -> ()
      %dma_start3A_52 = arith.constant 0 : i32
      %dma_start3A_53 = arith.constant 0 : i32
      %dma_start3A_54 = tpu.memref_slice %arg2[%dma_start3A_52, %dma_start3A_53] : memref<10240x128xf32, #tpu.memory_space<hbm>> -> memref<10240x128xf32, #tpu.memory_space<hbm>>
      tpu.enqueue_indirect_dma source(%dma_start3A_54 : memref<10240x128xf32, #tpu.memory_space<hbm>>) target(%arg11 : memref<128x128xf32, #tpu.memory_space<vmem>>) offsets(%arg7 : memref<128xi32, #tpu.memory_space<vmem>>) semaphore(%arg14 : memref<!tpu.dma_semaphore, #tpu.memory_space<semaphore_mem>>)
      %dma_wait3A = arith.constant 0 : i32
      %dma_wait3A_55 = arith.constant 0 : i32
      %dma_wait3A_56 = tpu.memref_slice %arg2[%dma_wait3A, %dma_wait3A_55] : memref<10240x128xf32, #tpu.memory_space<hbm>> -> memref<10240x128xf32, #tpu.memory_space<hbm>>
      tpu.wait_indirect_dma semaphore(%arg13 : memref<!tpu.dma_semaphore, #tpu.memory_space<semaphore_mem>>) src(%dma_wait3A_56 : memref<10240x128xf32, #tpu.memory_space<hbm>>) dst(%arg10 : memref<128x128xf32, #tpu.memory_space<vmem>>)
      "tpu.region"() ({
        %run_scoped3A_65 = tpu.sem_alloc : memref<!tpu.dma_semaphore, #tpu.memory_space<semaphore_mem>>
        %dma_start3A_66 = arith.constant 0 : i32
        %dma_start3A_67 = arith.constant 0 : i32
        %dma_start3A_68 = tpu.memref_slice %arg12[%dma_start3A_66, %dma_start3A_67] : memref<10240x128xf32, #tpu.memory_space<vmem_shared>> -> memref<10240x128xf32, #tpu.memory_space<vmem_shared>>
        tpu.enqueue_indirect_dma source(%arg10 : memref<128x128xf32, #tpu.memory_space<vmem>>) target(%dma_start3A_68 : memref<10240x128xf32, #tpu.memory_space<vmem_shared>>) offsets(%arg8 : memref<128xi32, #tpu.memory_space<vmem>>) semaphore(%run_scoped3A_65 : memref<!tpu.dma_semaphore, #tpu.memory_space<semaphore_mem>>) {add = true}
        %dma_wait3A_69 = arith.constant 0 : i32
        %dma_wait3A_70 = arith.constant 0 : i32
        %dma_wait3A_71 = tpu.memref_slice %arg12[%dma_wait3A_69, %dma_wait3A_70] : memref<10240x128xf32, #tpu.memory_space<vmem_shared>> -> memref<10240x128xf32, #tpu.memory_space<vmem_shared>>
        tpu.wait_indirect_dma semaphore(%run_scoped3A_65 : memref<!tpu.dma_semaphore, #tpu.memory_space<semaphore_mem>>) src(%arg10 : memref<128x128xf32, #tpu.memory_space<vmem>>) dst(%dma_wait3A_71 : memref<10240x128xf32, #tpu.memory_space<vmem_shared>>)
        tpu.yield
      }) : () -> ()
      %add3A_57 = arith.constant 2 : i32
      %add3A_58 = arith.addi %add3A_45, %add3A_57 : i32
      %add3A_59 = arith.addi %add3A_6, %select_n3A : i32
      %lt3A_60 = arith.cmpi slt, %add3A_58, %add3A_59 : i32
      %convert_element_type3A = arith.extui %lt3A_60 : i1 to i32
      %cond3A = arith.constant 0 : i32
      %cond3A_61 = arith.cmpi ne, %convert_element_type3A, %cond3A : i32
      scf.if %cond3A_61 {
        %add3A_65 = arith.constant 2 : i32
        %add3A_66 = arith.addi %add3A_45, %add3A_65 : i32
        %run_scoped3A_67 = arith.constant 0 : i32
        "tpu.region"() ({
          %run_scoped3A_74 = tpu.sem_alloc : memref<!tpu.dma_semaphore, #tpu.memory_space<semaphore_mem>>
          %dma_start3A_75 = arith.constant 0 : i32
          %dma_start3A_76 = tpu.memref_slice %arg3[%run_scoped3A_67, %add3A_66, %dma_start3A_75] : memref<2x2500x128xi32, #tpu.memory_space<hbm>> -> memref<1x1x128xi32, #tpu.memory_space<hbm>>
          %dma_start3A_77 = tpu.memref_squeeze %dma_start3A_76 : memref<1x1x128xi32, #tpu.memory_space<hbm>> -> memref<128xi32, #tpu.memory_space<hbm>>
          %dma_start3A_78 = arith.constant 0 : i32
          %dma_start3A_79 = tpu.memref_slice %arg3[%run_scoped3A_67, %add3A_66, %dma_start3A_78] : memref<2x2500x128xi32, #tpu.memory_space<hbm>> -> memref<1x1x128xi32, #tpu.memory_space<hbm>>
          %dma_start3A_80 = tpu.memref_squeeze %dma_start3A_79 : memref<1x1x128xi32, #tpu.memory_space<hbm>> -> memref<128xi32, #tpu.memory_space<hbm>>
          tpu.enqueue_dma source(%dma_start3A_80 : memref<128xi32, #tpu.memory_space<hbm>>) target(%arg6 : memref<128xi32, #tpu.memory_space<vmem>>) target_semaphore(%run_scoped3A_74 : memref<!tpu.dma_semaphore, #tpu.memory_space<semaphore_mem>>)
          %dma_wait3A_81 = arith.constant 0 : i32
          %dma_wait3A_82 = tpu.memref_slice %arg3[%run_scoped3A_67, %add3A_66, %dma_wait3A_81] : memref<2x2500x128xi32, #tpu.memory_space<hbm>> -> memref<1x1x128xi32, #tpu.memory_space<hbm>>
          %dma_wait3A_83 = tpu.memref_squeeze %dma_wait3A_82 : memref<1x1x128xi32, #tpu.memory_space<hbm>> -> memref<128xi32, #tpu.memory_space<hbm>>
          %dma_wait3A_84 = arith.constant 0 : i32
          %dma_wait3A_85 = tpu.memref_slice %arg3[%run_scoped3A_67, %add3A_66, %dma_wait3A_84] : memref<2x2500x128xi32, #tpu.memory_space<hbm>> -> memref<1x1x128xi32, #tpu.memory_space<hbm>>
          %dma_wait3A_86 = tpu.memref_squeeze %dma_wait3A_85 : memref<1x1x128xi32, #tpu.memory_space<hbm>> -> memref<128xi32, #tpu.memory_space<hbm>>
          tpu.wait_dma2 semaphore(%run_scoped3A_74 : memref<!tpu.dma_semaphore, #tpu.memory_space<semaphore_mem>>) src(%dma_wait3A_86 : memref<128xi32, #tpu.memory_space<hbm>>) dst(%arg6 : memref<128xi32, #tpu.memory_space<vmem>>)
          tpu.yield
        }) : () -> ()
        %add3A_68 = arith.constant 2 : i32
        %add3A_69 = arith.addi %add3A_45, %add3A_68 : i32
        %run_scoped3A_70 = arith.constant 1 : i32
        "tpu.region"() ({
          %run_scoped3A_74 = tpu.sem_alloc : memref<!tpu.dma_semaphore, #tpu.memory_space<semaphore_mem>>
          %dma_start3A_75 = arith.constant 0 : i32
          %dma_start3A_76 = tpu.memref_slice %arg3[%run_scoped3A_70, %add3A_69, %dma_start3A_75] : memref<2x2500x128xi32, #tpu.memory_space<hbm>> -> memref<1x1x128xi32, #tpu.memory_space<hbm>>
          %dma_start3A_77 = tpu.memref_squeeze %dma_start3A_76 : memref<1x1x128xi32, #tpu.memory_space<hbm>> -> memref<128xi32, #tpu.memory_space<hbm>>
          %dma_start3A_78 = arith.constant 0 : i32
          %dma_start3A_79 = tpu.memref_slice %arg3[%run_scoped3A_70, %add3A_69, %dma_start3A_78] : memref<2x2500x128xi32, #tpu.memory_space<hbm>> -> memref<1x1x128xi32, #tpu.memory_space<hbm>>
          %dma_start3A_80 = tpu.memref_squeeze %dma_start3A_79 : memref<1x1x128xi32, #tpu.memory_space<hbm>> -> memref<128xi32, #tpu.memory_space<hbm>>
          tpu.enqueue_dma source(%dma_start3A_80 : memref<128xi32, #tpu.memory_space<hbm>>) target(%arg8 : memref<128xi32, #tpu.memory_space<vmem>>) target_semaphore(%run_scoped3A_74 : memref<!tpu.dma_semaphore, #tpu.memory_space<semaphore_mem>>)
          %dma_wait3A_81 = arith.constant 0 : i32
          %dma_wait3A_82 = tpu.memref_slice %arg3[%run_scoped3A_70, %add3A_69, %dma_wait3A_81] : memref<2x2500x128xi32, #tpu.memory_space<hbm>> -> memref<1x1x128xi32, #tpu.memory_space<hbm>>
          %dma_wait3A_83 = tpu.memref_squeeze %dma_wait3A_82 : memref<1x1x128xi32, #tpu.memory_space<hbm>> -> memref<128xi32, #tpu.memory_space<hbm>>
          %dma_wait3A_84 = arith.constant 0 : i32
          %dma_wait3A_85 = tpu.memref_slice %arg3[%run_scoped3A_70, %add3A_69, %dma_wait3A_84] : memref<2x2500x128xi32, #tpu.memory_space<hbm>> -> memref<1x1x128xi32, #tpu.memory_space<hbm>>
          %dma_wait3A_86 = tpu.memref_squeeze %dma_wait3A_85 : memref<1x1x128xi32, #tpu.memory_space<hbm>> -> memref<128xi32, #tpu.memory_space<hbm>>
          tpu.wait_dma2 semaphore(%run_scoped3A_74 : memref<!tpu.dma_semaphore, #tpu.memory_space<semaphore_mem>>) src(%dma_wait3A_86 : memref<128xi32, #tpu.memory_space<hbm>>) dst(%arg8 : memref<128xi32, #tpu.memory_space<vmem>>)
          tpu.yield
        }) : () -> ()
        %dma_start3A_71 = arith.constant 0 : i32
        %dma_start3A_72 = arith.constant 0 : i32
        %dma_start3A_73 = tpu.memref_slice %arg2[%dma_start3A_71, %dma_start3A_72] : memref<10240x128xf32, #tpu.memory_space<hbm>> -> memref<10240x128xf32, #tpu.memory_space<hbm>>
        tpu.enqueue_indirect_dma source(%dma_start3A_73 : memref<10240x128xf32, #tpu.memory_space<hbm>>) target(%arg10 : memref<128x128xf32, #tpu.memory_space<vmem>>) offsets(%arg6 : memref<128xi32, #tpu.memory_space<vmem>>) semaphore(%arg13 : memref<!tpu.dma_semaphore, #tpu.memory_space<semaphore_mem>>)
      } else {
      }
      %dma_wait3A_62 = arith.constant 0 : i32
      %dma_wait3A_63 = arith.constant 0 : i32
      %dma_wait3A_64 = tpu.memref_slice %arg2[%dma_wait3A_62, %dma_wait3A_63] : memref<10240x128xf32, #tpu.memory_space<hbm>> -> memref<10240x128xf32, #tpu.memory_space<hbm>>
      tpu.wait_indirect_dma semaphore(%arg14 : memref<!tpu.dma_semaphore, #tpu.memory_space<semaphore_mem>>) src(%dma_wait3A_64 : memref<10240x128xf32, #tpu.memory_space<hbm>>) dst(%arg11 : memref<128x128xf32, #tpu.memory_space<vmem>>)
      "tpu.region"() ({
        %run_scoped3A_65 = tpu.sem_alloc : memref<!tpu.dma_semaphore, #tpu.memory_space<semaphore_mem>>
        %dma_start3A_66 = arith.constant 0 : i32
        %dma_start3A_67 = arith.constant 0 : i32
        %dma_start3A_68 = tpu.memref_slice %arg12[%dma_start3A_66, %dma_start3A_67] : memref<10240x128xf32, #tpu.memory_space<vmem_shared>> -> memref<10240x128xf32, #tpu.memory_space<vmem_shared>>
        tpu.enqueue_indirect_dma source(%arg11 : memref<128x128xf32, #tpu.memory_space<vmem>>) target(%dma_start3A_68 : memref<10240x128xf32, #tpu.memory_space<vmem_shared>>) offsets(%arg9 : memref<128xi32, #tpu.memory_space<vmem>>) semaphore(%run_scoped3A_65 : memref<!tpu.dma_semaphore, #tpu.memory_space<semaphore_mem>>) {add = true}
        %dma_wait3A_69 = arith.constant 0 : i32
        %dma_wait3A_70 = arith.constant 0 : i32
        %dma_wait3A_71 = tpu.memref_slice %arg12[%dma_wait3A_69, %dma_wait3A_70] : memref<10240x128xf32, #tpu.memory_space<vmem_shared>> -> memref<10240x128xf32, #tpu.memory_space<vmem_shared>>
        tpu.wait_indirect_dma semaphore(%run_scoped3A_65 : memref<!tpu.dma_semaphore, #tpu.memory_space<semaphore_mem>>) src(%arg11 : memref<128x128xf32, #tpu.memory_space<vmem>>) dst(%dma_wait3A_71 : memref<10240x128xf32, #tpu.memory_space<vmem_shared>>)
        tpu.yield
      }) : () -> ()
    }
    %while3A_40 = arith.constant 1 : i32
    scf.for %while3A_42 = %while3A_38 to %while3A_34 step %while3A_40  : i32 {
      %mul3A_43 = arith.constant 2 : i32
      %mul3A_44 = arith.muli %mul3A_43, %while3A_42 : i32
      %add3A_45 = arith.addi %add3A_6, %mul3A_44 : i32
      %add3A_46 = arith.constant 1 : i32
      %add3A_47 = arith.addi %add3A_45, %add3A_46 : i32
      %run_scoped3A_48 = arith.constant 0 : i32
      "tpu.region"() ({
        %run_scoped3A_65 = tpu.sem_alloc : memref<!tpu.dma_semaphore, #tpu.memory_space<semaphore_mem>>
        %dma_start3A_66 = arith.constant 0 : i32
        %dma_start3A_67 = tpu.memref_slice %arg3[%run_scoped3A_48, %add3A_47, %dma_start3A_66] : memref<2x2500x128xi32, #tpu.memory_space<hbm>> -> memref<1x1x128xi32, #tpu.memory_space<hbm>>
        %dma_start3A_68 = tpu.memref_squeeze %dma_start3A_67 : memref<1x1x128xi32, #tpu.memory_space<hbm>> -> memref<128xi32, #tpu.memory_space<hbm>>
        %dma_start3A_69 = arith.constant 0 : i32
        %dma_start3A_70 = tpu.memref_slice %arg3[%run_scoped3A_48, %add3A_47, %dma_start3A_69] : memref<2x2500x128xi32, #tpu.memory_space<hbm>> -> memref<1x1x128xi32, #tpu.memory_space<hbm>>
        %dma_start3A_71 = tpu.memref_squeeze %dma_start3A_70 : memref<1x1x128xi32, #tpu.memory_space<hbm>> -> memref<128xi32, #tpu.memory_space<hbm>>
        tpu.enqueue_dma source(%dma_start3A_71 : memref<128xi32, #tpu.memory_space<hbm>>) target(%arg7 : memref<128xi32, #tpu.memory_space<vmem>>) target_semaphore(%run_scoped3A_65 : memref<!tpu.dma_semaphore, #tpu.memory_space<semaphore_mem>>)
        %dma_wait3A_72 = arith.constant 0 : i32
        %dma_wait3A_73 = tpu.memref_slice %arg3[%run_scoped3A_48, %add3A_47, %dma_wait3A_72] : memref<2x2500x128xi32, #tpu.memory_space<hbm>> -> memref<1x1x128xi32, #tpu.memory_space<hbm>>
        %dma_wait3A_74 = tpu.memref_squeeze %dma_wait3A_73 : memref<1x1x128xi32, #tpu.memory_space<hbm>> -> memref<128xi32, #tpu.memory_space<hbm>>
        %dma_wait3A_75 = arith.constant 0 : i32
        %dma_wait3A_76 = tpu.memref_slice %arg3[%run_scoped3A_48, %add3A_47, %dma_wait3A_75] : memref<2x2500x128xi32, #tpu.memory_space<hbm>> -> memref<1x1x128xi32, #tpu.memory_space<hbm>>
        %dma_wait3A_77 = tpu.memref_squeeze %dma_wait3A_76 : memref<1x1x128xi32, #tpu.memory_space<hbm>> -> memref<128xi32, #tpu.memory_space<hbm>>
        tpu.wait_dma2 semaphore(%run_scoped3A_65 : memref<!tpu.dma_semaphore, #tpu.memory_space<semaphore_mem>>) src(%dma_wait3A_77 : memref<128xi32, #tpu.memory_space<hbm>>) dst(%arg7 : memref<128xi32, #tpu.memory_space<vmem>>)
        tpu.yield
      }) : () -> ()
      %add3A_49 = arith.constant 1 : i32
      %add3A_50 = arith.addi %add3A_45, %add3A_49 : i32
      %run_scoped3A_51 = arith.constant 1 : i32
      "tpu.region"() ({
        %run_scoped3A_65 = tpu.sem_alloc : memref<!tpu.dma_semaphore, #tpu.memory_space<semaphore_mem>>
        %dma_start3A_66 = arith.constant 0 : i32
        %dma_start3A_67 = tpu.memref_slice %arg3[%run_scoped3A_51, %add3A_50, %dma_start3A_66] : memref<2x2500x128xi32, #tpu.memory_space<hbm>> -> memref<1x1x128xi32, #tpu.memory_space<hbm>>
        %dma_start3A_68 = tpu.memref_squeeze %dma_start3A_67 : memref<1x1x128xi32, #tpu.memory_space<hbm>> -> memref<128xi32, #tpu.memory_space<hbm>>
        %dma_start3A_69 = arith.constant 0 : i32
        %dma_start3A_70 = tpu.memref_slice %arg3[%run_scoped3A_51, %add3A_50, %dma_start3A_69] : memref<2x2500x128xi32, #tpu.memory_space<hbm>> -> memref<1x1x128xi32, #tpu.memory_space<hbm>>
        %dma_start3A_71 = tpu.memref_squeeze %dma_start3A_70 : memref<1x1x128xi32, #tpu.memory_space<hbm>> -> memref<128xi32, #tpu.memory_space<hbm>>
        tpu.enqueue_dma source(%dma_start3A_71 : memref<128xi32, #tpu.memory_space<hbm>>) target(%arg9 : memref<128xi32, #tpu.memory_space<vmem>>) target_semaphore(%run_scoped3A_65 : memref<!tpu.dma_semaphore, #tpu.memory_space<semaphore_mem>>)
        %dma_wait3A_72 = arith.constant 0 : i32
        %dma_wait3A_73 = tpu.memref_slice %arg3[%run_scoped3A_51, %add3A_50, %dma_wait3A_72] : memref<2x2500x128xi32, #tpu.memory_space<hbm>> -> memref<1x1x128xi32, #tpu.memory_space<hbm>>
        %dma_wait3A_74 = tpu.memref_squeeze %dma_wait3A_73 : memref<1x1x128xi32, #tpu.memory_space<hbm>> -> memref<128xi32, #tpu.memory_space<hbm>>
        %dma_wait3A_75 = arith.constant 0 : i32
        %dma_wait3A_76 = tpu.memref_slice %arg3[%run_scoped3A_51, %add3A_50, %dma_wait3A_75] : memref<2x2500x128xi32, #tpu.memory_space<hbm>> -> memref<1x1x128xi32, #tpu.memory_space<hbm>>
        %dma_wait3A_77 = tpu.memref_squeeze %dma_wait3A_76 : memref<1x1x128xi32, #tpu.memory_space<hbm>> -> memref<128xi32, #tpu.memory_space<hbm>>
        tpu.wait_dma2 semaphore(%run_scoped3A_65 : memref<!tpu.dma_semaphore, #tpu.memory_space<semaphore_mem>>) src(%dma_wait3A_77 : memref<128xi32, #tpu.memory_space<hbm>>) dst(%arg9 : memref<128xi32, #tpu.memory_space<vmem>>)
        tpu.yield
      }) : () -> ()
      %dma_start3A_52 = arith.constant 0 : i32
      %dma_start3A_53 = arith.constant 0 : i32
      %dma_start3A_54 = tpu.memref_slice %arg2[%dma_start3A_52, %dma_start3A_53] : memref<10240x128xf32, #tpu.memory_space<hbm>> -> memref<10240x128xf32, #tpu.memory_space<hbm>>
      tpu.enqueue_indirect_dma source(%dma_start3A_54 : memref<10240x128xf32, #tpu.memory_space<hbm>>) target(%arg11 : memref<128x128xf32, #tpu.memory_space<vmem>>) offsets(%arg7 : memref<128xi32, #tpu.memory_space<vmem>>) semaphore(%arg14 : memref<!tpu.dma_semaphore, #tpu.memory_space<semaphore_mem>>)
      %dma_wait3A = arith.constant 0 : i32
      %dma_wait3A_55 = arith.constant 0 : i32
      %dma_wait3A_56 = tpu.memref_slice %arg2[%dma_wait3A, %dma_wait3A_55] : memref<10240x128xf32, #tpu.memory_space<hbm>> -> memref<10240x128xf32, #tpu.memory_space<hbm>>
      tpu.wait_indirect_dma semaphore(%arg13 : memref<!tpu.dma_semaphore, #tpu.memory_space<semaphore_mem>>) src(%dma_wait3A_56 : memref<10240x128xf32, #tpu.memory_space<hbm>>) dst(%arg10 : memref<128x128xf32, #tpu.memory_space<vmem>>)
      "tpu.region"() ({
        %run_scoped3A_65 = tpu.sem_alloc : memref<!tpu.dma_semaphore, #tpu.memory_space<semaphore_mem>>
        %dma_start3A_66 = arith.constant 0 : i32
        %dma_start3A_67 = arith.constant 0 : i32
        %dma_start3A_68 = tpu.memref_slice %arg12[%dma_start3A_66, %dma_start3A_67] : memref<10240x128xf32, #tpu.memory_space<vmem_shared>> -> memref<10240x128xf32, #tpu.memory_space<vmem_shared>>
        tpu.enqueue_indirect_dma source(%arg10 : memref<128x128xf32, #tpu.memory_space<vmem>>) target(%dma_start3A_68 : memref<10240x128xf32, #tpu.memory_space<vmem_shared>>) offsets(%arg8 : memref<128xi32, #tpu.memory_space<vmem>>) semaphore(%run_scoped3A_65 : memref<!tpu.dma_semaphore, #tpu.memory_space<semaphore_mem>>) {add = true}
        %dma_wait3A_69 = arith.constant 0 : i32
        %dma_wait3A_70 = arith.constant 0 : i32
        %dma_wait3A_71 = tpu.memref_slice %arg12[%dma_wait3A_69, %dma_wait3A_70] : memref<10240x128xf32, #tpu.memory_space<vmem_shared>> -> memref<10240x128xf32, #tpu.memory_space<vmem_shared>>
        tpu.wait_indirect_dma semaphore(%run_scoped3A_65 : memref<!tpu.dma_semaphore, #tpu.memory_space<semaphore_mem>>) src(%arg10 : memref<128x128xf32, #tpu.memory_space<vmem>>) dst(%dma_wait3A_71 : memref<10240x128xf32, #tpu.memory_space<vmem_shared>>)
        tpu.yield
      }) : () -> ()
      %add3A_57 = arith.constant 2 : i32
      %add3A_58 = arith.addi %add3A_45, %add3A_57 : i32
      %add3A_59 = arith.addi %add3A_6, %select_n3A : i32
      %lt3A_60 = arith.cmpi slt, %add3A_58, %add3A_59 : i32
      %convert_element_type3A = arith.extui %lt3A_60 : i1 to i32
      %cond3A = arith.constant 0 : i32
      %cond3A_61 = arith.cmpi ne, %convert_element_type3A, %cond3A : i32
      scf.if %cond3A_61 {
        %add3A_65 = arith.constant 2 : i32
        %add3A_66 = arith.addi %add3A_45, %add3A_65 : i32
        %run_scoped3A_67 = arith.constant 0 : i32
        "tpu.region"() ({
          %run_scoped3A_74 = tpu.sem_alloc : memref<!tpu.dma_semaphore, #tpu.memory_space<semaphore_mem>>
          %dma_start3A_75 = arith.constant 0 : i32
          %dma_start3A_76 = tpu.memref_slice %arg3[%run_scoped3A_67, %add3A_66, %dma_start3A_75] : memref<2x2500x128xi32, #tpu.memory_space<hbm>> -> memref<1x1x128xi32, #tpu.memory_space<hbm>>
          %dma_start3A_77 = tpu.memref_squeeze %dma_start3A_76 : memref<1x1x128xi32, #tpu.memory_space<hbm>> -> memref<128xi32, #tpu.memory_space<hbm>>
          %dma_start3A_78 = arith.constant 0 : i32
          %dma_start3A_79 = tpu.memref_slice %arg3[%run_scoped3A_67, %add3A_66, %dma_start3A_78] : memref<2x2500x128xi32, #tpu.memory_space<hbm>> -> memref<1x1x128xi32, #tpu.memory_space<hbm>>
          %dma_start3A_80 = tpu.memref_squeeze %dma_start3A_79 : memref<1x1x128xi32, #tpu.memory_space<hbm>> -> memref<128xi32, #tpu.memory_space<hbm>>
          tpu.enqueue_dma source(%dma_start3A_80 : memref<128xi32, #tpu.memory_space<hbm>>) target(%arg6 : memref<128xi32, #tpu.memory_space<vmem>>) target_semaphore(%run_scoped3A_74 : memref<!tpu.dma_semaphore, #tpu.memory_space<semaphore_mem>>)
          %dma_wait3A_81 = arith.constant 0 : i32
          %dma_wait3A_82 = tpu.memref_slice %arg3[%run_scoped3A_67, %add3A_66, %dma_wait3A_81] : memref<2x2500x128xi32, #tpu.memory_space<hbm>> -> memref<1x1x128xi32, #tpu.memory_space<hbm>>
          %dma_wait3A_83 = tpu.memref_squeeze %dma_wait3A_82 : memref<1x1x128xi32, #tpu.memory_space<hbm>> -> memref<128xi32, #tpu.memory_space<hbm>>
          %dma_wait3A_84 = arith.constant 0 : i32
          %dma_wait3A_85 = tpu.memref_slice %arg3[%run_scoped3A_67, %add3A_66, %dma_wait3A_84] : memref<2x2500x128xi32, #tpu.memory_space<hbm>> -> memref<1x1x128xi32, #tpu.memory_space<hbm>>
          %dma_wait3A_86 = tpu.memref_squeeze %dma_wait3A_85 : memref<1x1x128xi32, #tpu.memory_space<hbm>> -> memref<128xi32, #tpu.memory_space<hbm>>
          tpu.wait_dma2 semaphore(%run_scoped3A_74 : memref<!tpu.dma_semaphore, #tpu.memory_space<semaphore_mem>>) src(%dma_wait3A_86 : memref<128xi32, #tpu.memory_space<hbm>>) dst(%arg6 : memref<128xi32, #tpu.memory_space<vmem>>)
          tpu.yield
        }) : () -> ()
        %add3A_68 = arith.constant 2 : i32
        %add3A_69 = arith.addi %add3A_45, %add3A_68 : i32
        %run_scoped3A_70 = arith.constant 1 : i32
        "tpu.region"() ({
          %run_scoped3A_74 = tpu.sem_alloc : memref<!tpu.dma_semaphore, #tpu.memory_space<semaphore_mem>>
          %dma_start3A_75 = arith.constant 0 : i32
          %dma_start3A_76 = tpu.memref_slice %arg3[%run_scoped3A_70, %add3A_69, %dma_start3A_75] : memref<2x2500x128xi32, #tpu.memory_space<hbm>> -> memref<1x1x128xi32, #tpu.memory_space<hbm>>
          %dma_start3A_77 = tpu.memref_squeeze %dma_start3A_76 : memref<1x1x128xi32, #tpu.memory_space<hbm>> -> memref<128xi32, #tpu.memory_space<hbm>>
          %dma_start3A_78 = arith.constant 0 : i32
          %dma_start3A_79 = tpu.memref_slice %arg3[%run_scoped3A_70, %add3A_69, %dma_start3A_78] : memref<2x2500x128xi32, #tpu.memory_space<hbm>> -> memref<1x1x128xi32, #tpu.memory_space<hbm>>
          %dma_start3A_80 = tpu.memref_squeeze %dma_start3A_79 : memref<1x1x128xi32, #tpu.memory_space<hbm>> -> memref<128xi32, #tpu.memory_space<hbm>>
          tpu.enqueue_dma source(%dma_start3A_80 : memref<128xi32, #tpu.memory_space<hbm>>) target(%arg8 : memref<128xi32, #tpu.memory_space<vmem>>) target_semaphore(%run_scoped3A_74 : memref<!tpu.dma_semaphore, #tpu.memory_space<semaphore_mem>>)
          %dma_wait3A_81 = arith.constant 0 : i32
          %dma_wait3A_82 = tpu.memref_slice %arg3[%run_scoped3A_70, %add3A_69, %dma_wait3A_81] : memref<2x2500x128xi32, #tpu.memory_space<hbm>> -> memref<1x1x128xi32, #tpu.memory_space<hbm>>
          %dma_wait3A_83 = tpu.memref_squeeze %dma_wait3A_82 : memref<1x1x128xi32, #tpu.memory_space<hbm>> -> memref<128xi32, #tpu.memory_space<hbm>>
          %dma_wait3A_84 = arith.constant 0 : i32
          %dma_wait3A_85 = tpu.memref_slice %arg3[%run_scoped3A_70, %add3A_69, %dma_wait3A_84] : memref<2x2500x128xi32, #tpu.memory_space<hbm>> -> memref<1x1x128xi32, #tpu.memory_space<hbm>>
          %dma_wait3A_86 = tpu.memref_squeeze %dma_wait3A_85 : memref<1x1x128xi32, #tpu.memory_space<hbm>> -> memref<128xi32, #tpu.memory_space<hbm>>
          tpu.wait_dma2 semaphore(%run_scoped3A_74 : memref<!tpu.dma_semaphore, #tpu.memory_space<semaphore_mem>>) src(%dma_wait3A_86 : memref<128xi32, #tpu.memory_space<hbm>>) dst(%arg8 : memref<128xi32, #tpu.memory_space<vmem>>)
          tpu.yield
        }) : () -> ()
        %dma_start3A_71 = arith.constant 0 : i32
        %dma_start3A_72 = arith.constant 0 : i32
        %dma_start3A_73 = tpu.memref_slice %arg2[%dma_start3A_71, %dma_start3A_72] : memref<10240x128xf32, #tpu.memory_space<hbm>> -> memref<10240x128xf32, #tpu.memory_space<hbm>>
        tpu.enqueue_indirect_dma source(%dma_start3A_73 : memref<10240x128xf32, #tpu.memory_space<hbm>>) target(%arg10 : memref<128x128xf32, #tpu.memory_space<vmem>>) offsets(%arg6 : memref<128xi32, #tpu.memory_space<vmem>>) semaphore(%arg13 : memref<!tpu.dma_semaphore, #tpu.memory_space<semaphore_mem>>)
      } else {
      }
      %dma_wait3A_62 = arith.constant 0 : i32
      %dma_wait3A_63 = arith.constant 0 : i32
      %dma_wait3A_64 = tpu.memref_slice %arg2[%dma_wait3A_62, %dma_wait3A_63] : memref<10240x128xf32, #tpu.memory_space<hbm>> -> memref<10240x128xf32, #tpu.memory_space<hbm>>
      tpu.wait_indirect_dma semaphore(%arg14 : memref<!tpu.dma_semaphore, #tpu.memory_space<semaphore_mem>>) src(%dma_wait3A_64 : memref<10240x128xf32, #tpu.memory_space<hbm>>) dst(%arg11 : memref<128x128xf32, #tpu.memory_space<vmem>>)
      "tpu.region"() ({
        %run_scoped3A_65 = tpu.sem_alloc : memref<!tpu.dma_semaphore, #tpu.memory_space<semaphore_mem>>
        %dma_start3A_66 = arith.constant 0 : i32
        %dma_start3A_67 = arith.constant 0 : i32
        %dma_start3A_68 = tpu.memref_slice %arg12[%dma_start3A_66, %dma_start3A_67] : memref<10240x128xf32, #tpu.memory_space<vmem_shared>> -> memref<10240x128xf32, #tpu.memory_space<vmem_shared>>
        tpu.enqueue_indirect_dma source(%arg11 : memref<128x128xf32, #tpu.memory_space<vmem>>) target(%dma_start3A_68 : memref<10240x128xf32, #tpu.memory_space<vmem_shared>>) offsets(%arg9 : memref<128xi32, #tpu.memory_space<vmem>>) semaphore(%run_scoped3A_65 : memref<!tpu.dma_semaphore, #tpu.memory_space<semaphore_mem>>) {add = true}
        %dma_wait3A_69 = arith.constant 0 : i32
        %dma_wait3A_70 = arith.constant 0 : i32
        %dma_wait3A_71 = tpu.memref_slice %arg12[%dma_wait3A_69, %dma_wait3A_70] : memref<10240x128xf32, #tpu.memory_space<vmem_shared>> -> memref<10240x128xf32, #tpu.memory_space<vmem_shared>>
        tpu.wait_indirect_dma semaphore(%run_scoped3A_65 : memref<!tpu.dma_semaphore, #tpu.memory_space<semaphore_mem>>) src(%arg11 : memref<128x128xf32, #tpu.memory_space<vmem>>) dst(%dma_wait3A_71 : memref<10240x128xf32, #tpu.memory_space<vmem_shared>>)
        tpu.yield
      }) : () -> ()
    }
    %barrier3A_41 = arith.constant 0 : index
    tpu.barrier barrier_id(%barrier3A_41)
    "tpu.region"() ({
      %run_scoped3A_42 = tpu.sem_alloc : memref<!tpu.dma_semaphore, #tpu.memory_space<semaphore_mem>>
      %dma_start3A_43 = arith.constant 0 : i32
      %dma_start3A_44 = tpu.memref_slice %arg5[%arg0, %mul3A_10, %dma_start3A_43] : memref<2x10240x128xf32, #tpu.memory_space<hbm>> -> memref<1x640x128xf32, #tpu.memory_space<hbm>>
      %dma_start3A_45 = tpu.memref_squeeze %dma_start3A_44 : memref<1x640x128xf32, #tpu.memory_space<hbm>> -> memref<640x128xf32, #tpu.memory_space<hbm>>
      %dma_start3A_46 = arith.constant 0 : i32
      %dma_start3A_47 = tpu.memref_slice %arg12[%mul3A_10, %dma_start3A_46] : memref<10240x128xf32, #tpu.memory_space<vmem_shared>> -> memref<640x128xf32, #tpu.memory_space<vmem_shared>>
      tpu.enqueue_dma source(%dma_start3A_47 : memref<640x128xf32, #tpu.memory_space<vmem_shared>>) target(%dma_start3A_45 : memref<640x128xf32, #tpu.memory_space<hbm>>) target_semaphore(%run_scoped3A_42 : memref<!tpu.dma_semaphore, #tpu.memory_space<semaphore_mem>>)
      %dma_wait3A = arith.constant 0 : i32
      %dma_wait3A_48 = tpu.memref_slice %arg5[%arg0, %mul3A_10, %dma_wait3A] : memref<2x10240x128xf32, #tpu.memory_space<hbm>> -> memref<1x640x128xf32, #tpu.memory_space<hbm>>
      %dma_wait3A_49 = tpu.memref_squeeze %dma_wait3A_48 : memref<1x640x128xf32, #tpu.memory_space<hbm>> -> memref<640x128xf32, #tpu.memory_space<hbm>>
      %dma_wait3A_50 = arith.constant 0 : i32
      %dma_wait3A_51 = tpu.memref_slice %arg12[%mul3A_10, %dma_wait3A_50] : memref<10240x128xf32, #tpu.memory_space<vmem_shared>> -> memref<640x128xf32, #tpu.memory_space<vmem_shared>>
      tpu.wait_dma2 semaphore(%run_scoped3A_42 : memref<!tpu.dma_semaphore, #tpu.memory_space<semaphore_mem>>) src(%dma_wait3A_51 : memref<640x128xf32, #tpu.memory_space<vmem_shared>>) dst(%dma_wait3A_49 : memref<640x128xf32, #tpu.memory_space<hbm>>)
      tpu.yield
    }) : () -> ()
    return
  }
}

#map = affine_map<(d0, d1) -> (0, 0)>
#map1 = affine_map<(d0, d1) -> (0, 0, 0)>
module attributes {stable_mosaic.version = 14 : i64} {
  func.func @_seg_body(%arg0: i32, %arg1: i32, %arg2: memref<10240x128xf32, #tpu.memory_space<hbm>>, %arg3: memref<2x2500x128xi32, #tpu.memory_space<hbm>>, %arg4: memref<640x128xf32, #tpu.memory_space<hbm>>, %arg5: memref<2x10240x128xf32, #tpu.memory_space<hbm>>, %arg6: memref<128xi32, #tpu.memory_space<vmem>>, %arg7: memref<128xi32, #tpu.memory_space<vmem>>, %arg8: memref<128xi32, #tpu.memory_space<vmem>>, %arg9: memref<128xi32, #tpu.memory_space<vmem>>, %arg10: memref<128x128xf32, #tpu.memory_space<vmem>>, %arg11: memref<128x128xf32, #tpu.memory_space<vmem>>, %arg12: memref<10240x128xf32, #tpu.memory_space<vmem_shared>>, %arg13: memref<!tpu.dma_semaphore, #tpu.memory_space<semaphore_mem>>, %arg14: memref<!tpu.dma_semaphore, #tpu.memory_space<semaphore_mem>>) attributes {dimension_semantics = [#tpu.dimension_semantics<core_parallel>, #tpu.dimension_semantics<subcore_parallel>], iteration_bounds = array<i64: 2, 16>, scalar_prefetch = 0 : i64, scratch_operands = 9 : i64, tpu.core_type = #tpu.core_type<sc_vector_subcore>, window_params = [{transform_indices = #map}, {transform_indices = #map1}, {transform_indices = #map}, {transform_indices = #map1}]} {
    %mul3A = arith.constant 16 : i32
    %mul3A_0 = arith.muli %arg0, %mul3A : i32
    %add3A = arith.addi %mul3A_0, %arg1 : i32
    %mul3A_1 = arith.constant 78 : i32
    %mul3A_2 = arith.muli %add3A, %mul3A_1 : i32
    %min3A = arith.constant 2 : i32
    %min3A_3 = arith.minsi %add3A, %min3A : i32
    %mul3A_4 = arith.constant 2 : i32
    %mul3A_5 = arith.muli %min3A_3, %mul3A_4 : i32
    %add3A_6 = arith.addi %mul3A_2, %mul3A_5 : i32
    %lt3A = arith.constant 2 : i32
    %lt3A_7 = arith.cmpi slt, %add3A, %lt3A : i32
    %jit3A = arith.constant 80 : i32
    %jit3A_8 = arith.constant 78 : i32
    %select_n3A = arith.select %lt3A_7, %jit3A, %jit3A_8 : i32
    %mul3A_9 = arith.constant 640 : i32
    %mul3A_10 = arith.muli %arg1, %mul3A_9 : i32
    "tpu.region"() ({
      %run_scoped3A_42 = tpu.sem_alloc : memref<!tpu.dma_semaphore, #tpu.memory_space<semaphore_mem>>
      %dma_start3A_43 = arith.constant 0 : i32
      %dma_start3A_44 = tpu.memref_slice %arg12[%mul3A_10, %dma_start3A_43] : memref<10240x128xf32, #tpu.memory_space<vmem_shared>> -> memref<640x128xf32, #tpu.memory_space<vmem_shared>>
      tpu.enqueue_dma source(%arg4 : memref<640x128xf32, #tpu.memory_space<hbm>>) target(%dma_start3A_44 : memref<640x128xf32, #tpu.memory_space<vmem_shared>>) target_semaphore(%run_scoped3A_42 : memref<!tpu.dma_semaphore, #tpu.memory_space<semaphore_mem>>)
      %dma_wait3A = arith.constant 0 : i32
      %dma_wait3A_45 = tpu.memref_slice %arg12[%mul3A_10, %dma_wait3A] : memref<10240x128xf32, #tpu.memory_space<vmem_shared>> -> memref<640x128xf32, #tpu.memory_space<vmem_shared>>
      tpu.wait_dma2 semaphore(%run_scoped3A_42 : memref<!tpu.dma_semaphore, #tpu.memory_space<semaphore_mem>>) src(%arg4 : memref<640x128xf32, #tpu.memory_space<hbm>>) dst(%dma_wait3A_45 : memref<640x128xf32, #tpu.memory_space<vmem_shared>>)
      tpu.yield
    }) : () -> ()
    %barrier3A = arith.constant 0 : index
    tpu.barrier barrier_id(%barrier3A)
    %run_scoped3A = arith.constant 0 : i32
    "tpu.region"() ({
      %run_scoped3A_42 = tpu.sem_alloc : memref<!tpu.dma_semaphore, #tpu.memory_space<semaphore_mem>>
      %dma_start3A_43 = arith.constant 0 : i32
      %dma_start3A_44 = tpu.memref_slice %arg3[%run_scoped3A, %add3A_6, %dma_start3A_43] : memref<2x2500x128xi32, #tpu.memory_space<hbm>> -> memref<1x1x128xi32, #tpu.memory_space<hbm>>
      %dma_start3A_45 = tpu.memref_squeeze %dma_start3A_44 : memref<1x1x128xi32, #tpu.memory_space<hbm>> -> memref<128xi32, #tpu.memory_space<hbm>>
      %dma_start3A_46 = arith.constant 0 : i32
      %dma_start3A_47 = tpu.memref_slice %arg3[%run_scoped3A, %add3A_6, %dma_start3A_46] : memref<2x2500x128xi32, #tpu.memory_space<hbm>> -> memref<1x1x128xi32, #tpu.memory_space<hbm>>
      %dma_start3A_48 = tpu.memref_squeeze %dma_start3A_47 : memref<1x1x128xi32, #tpu.memory_space<hbm>> -> memref<128xi32, #tpu.memory_space<hbm>>
      tpu.enqueue_dma source(%dma_start3A_48 : memref<128xi32, #tpu.memory_space<hbm>>) target(%arg6 : memref<128xi32, #tpu.memory_space<vmem>>) target_semaphore(%run_scoped3A_42 : memref<!tpu.dma_semaphore, #tpu.memory_space<semaphore_mem>>)
      %dma_wait3A = arith.constant 0 : i32
      %dma_wait3A_49 = tpu.memref_slice %arg3[%run_scoped3A, %add3A_6, %dma_wait3A] : memref<2x2500x128xi32, #tpu.memory_space<hbm>> -> memref<1x1x128xi32, #tpu.memory_space<hbm>>
      %dma_wait3A_50 = tpu.memref_squeeze %dma_wait3A_49 : memref<1x1x128xi32, #tpu.memory_space<hbm>> -> memref<128xi32, #tpu.memory_space<hbm>>
      %dma_wait3A_51 = arith.constant 0 : i32
      %dma_wait3A_52 = tpu.memref_slice %arg3[%run_scoped3A, %add3A_6, %dma_wait3A_51] : memref<2x2500x128xi32, #tpu.memory_space<hbm>> -> memref<1x1x128xi32, #tpu.memory_space<hbm>>
      %dma_wait3A_53 = tpu.memref_squeeze %dma_wait3A_52 : memref<1x1x128xi32, #tpu.memory_space<hbm>> -> memref<128xi32, #tpu.memory_space<hbm>>
      tpu.wait_dma2 semaphore(%run_scoped3A_42 : memref<!tpu.dma_semaphore, #tpu.memory_space<semaphore_mem>>) src(%dma_wait3A_53 : memref<128xi32, #tpu.memory_space<hbm>>) dst(%arg6 : memref<128xi32, #tpu.memory_space<vmem>>)
      tpu.yield
    }) : () -> ()
    %run_scoped3A_11 = arith.constant 1 : i32
    "tpu.region"() ({
      %run_scoped3A_42 = tpu.sem_alloc : memref<!tpu.dma_semaphore, #tpu.memory_space<semaphore_mem>>
      %dma_start3A_43 = arith.constant 0 : i32
      %dma_start3A_44 = tpu.memref_slice %arg3[%run_scoped3A_11, %add3A_6, %dma_start3A_43] : memref<2x2500x128xi32, #tpu.memory_space<hbm>> -> memref<1x1x128xi32, #tpu.memory_space<hbm>>
      %dma_start3A_45 = tpu.memref_squeeze %dma_start3A_44 : memref<1x1x128xi32, #tpu.memory_space<hbm>> -> memref<128xi32, #tpu.memory_space<hbm>>
      %dma_start3A_46 = arith.constant 0 : i32
      %dma_start3A_47 = tpu.memref_slice %arg3[%run_scoped3A_11, %add3A_6, %dma_start3A_46] : memref<2x2500x128xi32, #tpu.memory_space<hbm>> -> memref<1x1x128xi32, #tpu.memory_space<hbm>>
      %dma_start3A_48 = tpu.memref_squeeze %dma_start3A_47 : memref<1x1x128xi32, #tpu.memory_space<hbm>> -> memref<128xi32, #tpu.memory_space<hbm>>
      tpu.enqueue_dma source(%dma_start3A_48 : memref<128xi32, #tpu.memory_space<hbm>>) target(%arg8 : memref<128xi32, #tpu.memory_space<vmem>>) target_semaphore(%run_scoped3A_42 : memref<!tpu.dma_semaphore, #tpu.memory_space<semaphore_mem>>)
      %dma_wait3A = arith.constant 0 : i32
      %dma_wait3A_49 = tpu.memref_slice %arg3[%run_scoped3A_11, %add3A_6, %dma_wait3A] : memref<2x2500x128xi32, #tpu.memory_space<hbm>> -> memref<1x1x128xi32, #tpu.memory_space<hbm>>
      %dma_wait3A_50 = tpu.memref_squeeze %dma_wait3A_49 : memref<1x1x128xi32, #tpu.memory_space<hbm>> -> memref<128xi32, #tpu.memory_space<hbm>>
      %dma_wait3A_51 = arith.constant 0 : i32
      %dma_wait3A_52 = tpu.memref_slice %arg3[%run_scoped3A_11, %add3A_6, %dma_wait3A_51] : memref<2x2500x128xi32, #tpu.memory_space<hbm>> -> memref<1x1x128xi32, #tpu.memory_space<hbm>>
      %dma_wait3A_53 = tpu.memref_squeeze %dma_wait3A_52 : memref<1x1x128xi32, #tpu.memory_space<hbm>> -> memref<128xi32, #tpu.memory_space<hbm>>
      tpu.wait_dma2 semaphore(%run_scoped3A_42 : memref<!tpu.dma_semaphore, #tpu.memory_space<semaphore_mem>>) src(%dma_wait3A_53 : memref<128xi32, #tpu.memory_space<hbm>>) dst(%arg8 : memref<128xi32, #tpu.memory_space<vmem>>)
      tpu.yield
    }) : () -> ()
    %dma_start3A = arith.constant 0 : i32
    %dma_start3A_12 = arith.constant 0 : i32
    %dma_start3A_13 = tpu.memref_slice %arg2[%dma_start3A, %dma_start3A_12] : memref<10240x128xf32, #tpu.memory_space<hbm>> -> memref<10240x128xf32, #tpu.memory_space<hbm>>
    tpu.enqueue_indirect_dma source(%dma_start3A_13 : memref<10240x128xf32, #tpu.memory_space<hbm>>) target(%arg10 : memref<128x128xf32, #tpu.memory_space<vmem>>) offsets(%arg6 : memref<128xi32, #tpu.memory_space<vmem>>) semaphore(%arg13 : memref<!tpu.dma_semaphore, #tpu.memory_space<semaphore_mem>>)
    %jit3A_14 = arith.constant 2 : i32
    %div3A = arith.divsi %select_n3A, %jit3A_14 : i32
    %sign3A = arith.constant 0 : i32
    %sign3A_15 = arith.cmpi sgt, %select_n3A, %sign3A : i32
    %sign3A_16 = arith.extui %sign3A_15 : i1 to i32
    %sign3A_17 = arith.constant 0 : i32
    %sign3A_18 = arith.cmpi slt, %select_n3A, %sign3A_17 : i32
    %sign3A_19 = arith.extui %sign3A_18 : i1 to i32
    %sign3A_20 = arith.subi %sign3A_16, %sign3A_19 : i32
    %sign3A_21 = arith.constant 0 : i32
    %sign3A_22 = arith.cmpi sgt, %jit3A_14, %sign3A_21 : i32
    %sign3A_23 = arith.extui %sign3A_22 : i1 to i32
    %sign3A_24 = arith.constant 0 : i32
    %sign3A_25 = arith.cmpi slt, %jit3A_14, %sign3A_24 : i32
    %sign3A_26 = arith.extui %sign3A_25 : i1 to i32
    %sign3A_27 = arith.subi %sign3A_23, %sign3A_26 : i32
    %ne3A = arith.cmpi ne, %sign3A_20, %sign3A_27 : i32
    %rem3A = arith.remsi %select_n3A, %jit3A_14 : i32
    %ne3A_28 = arith.constant 0 : i32
    %ne3A_29 = arith.cmpi ne, %rem3A, %ne3A_28 : i32
    %and3A = arith.andi %ne3A, %ne3A_29 : i1
    %sub3A = arith.constant 1 : i32
    %sub3A_30 = arith.subi %div3A, %sub3A : i32
    %select_n3A_31 = arith.select %and3A, %sub3A_30, %div3A : i32
    %while3A = arith.constant 0 : i32
    %while3A_32 = arith.constant 0 : i32
    %while3A_33 = arith.subi %select_n3A_31, %while3A_32 : i32
    %while3A_34 = arith.addi %while3A_32, %while3A_33 : i32
    %while3A_35 = arith.constant 1 : i32
    %while3A_36 = arith.divsi %while3A_33, %while3A_35 : i32
    %while3A_37 = arith.muli %while3A_36, %while3A_35 : i32
    %while3A_38 = arith.addi %while3A_32, %while3A_37 : i32
    %while3A_39 = arith.constant 1 : i32
    scf.for %while3A_42 = %while3A_32 to %while3A_38 step %while3A_39  : i32 {
      %mul3A_43 = arith.constant 2 : i32
      %mul3A_44 = arith.muli %mul3A_43, %while3A_42 : i32
      %add3A_45 = arith.addi %add3A_6, %mul3A_44 : i32
      %add3A_46 = arith.constant 1 : i32
      %add3A_47 = arith.addi %add3A_45, %add3A_46 : i32
      %run_scoped3A_48 = arith.constant 0 : i32
      "tpu.region"() ({
        %run_scoped3A_65 = tpu.sem_alloc : memref<!tpu.dma_semaphore, #tpu.memory_space<semaphore_mem>>
        %dma_start3A_66 = arith.constant 0 : i32
        %dma_start3A_67 = tpu.memref_slice %arg3[%run_scoped3A_48, %add3A_47, %dma_start3A_66] : memref<2x2500x128xi32, #tpu.memory_space<hbm>> -> memref<1x1x128xi32, #tpu.memory_space<hbm>>
        %dma_start3A_68 = tpu.memref_squeeze %dma_start3A_67 : memref<1x1x128xi32, #tpu.memory_space<hbm>> -> memref<128xi32, #tpu.memory_space<hbm>>
        %dma_start3A_69 = arith.constant 0 : i32
        %dma_start3A_70 = tpu.memref_slice %arg3[%run_scoped3A_48, %add3A_47, %dma_start3A_69] : memref<2x2500x128xi32, #tpu.memory_space<hbm>> -> memref<1x1x128xi32, #tpu.memory_space<hbm>>
        %dma_start3A_71 = tpu.memref_squeeze %dma_start3A_70 : memref<1x1x128xi32, #tpu.memory_space<hbm>> -> memref<128xi32, #tpu.memory_space<hbm>>
        tpu.enqueue_dma source(%dma_start3A_71 : memref<128xi32, #tpu.memory_space<hbm>>) target(%arg7 : memref<128xi32, #tpu.memory_space<vmem>>) target_semaphore(%run_scoped3A_65 : memref<!tpu.dma_semaphore, #tpu.memory_space<semaphore_mem>>)
        %dma_wait3A_72 = arith.constant 0 : i32
        %dma_wait3A_73 = tpu.memref_slice %arg3[%run_scoped3A_48, %add3A_47, %dma_wait3A_72] : memref<2x2500x128xi32, #tpu.memory_space<hbm>> -> memref<1x1x128xi32, #tpu.memory_space<hbm>>
        %dma_wait3A_74 = tpu.memref_squeeze %dma_wait3A_73 : memref<1x1x128xi32, #tpu.memory_space<hbm>> -> memref<128xi32, #tpu.memory_space<hbm>>
        %dma_wait3A_75 = arith.constant 0 : i32
        %dma_wait3A_76 = tpu.memref_slice %arg3[%run_scoped3A_48, %add3A_47, %dma_wait3A_75] : memref<2x2500x128xi32, #tpu.memory_space<hbm>> -> memref<1x1x128xi32, #tpu.memory_space<hbm>>
        %dma_wait3A_77 = tpu.memref_squeeze %dma_wait3A_76 : memref<1x1x128xi32, #tpu.memory_space<hbm>> -> memref<128xi32, #tpu.memory_space<hbm>>
        tpu.wait_dma2 semaphore(%run_scoped3A_65 : memref<!tpu.dma_semaphore, #tpu.memory_space<semaphore_mem>>) src(%dma_wait3A_77 : memref<128xi32, #tpu.memory_space<hbm>>) dst(%arg7 : memref<128xi32, #tpu.memory_space<vmem>>)
        tpu.yield
      }) : () -> ()
      %add3A_49 = arith.constant 1 : i32
      %add3A_50 = arith.addi %add3A_45, %add3A_49 : i32
      %run_scoped3A_51 = arith.constant 1 : i32
      "tpu.region"() ({
        %run_scoped3A_65 = tpu.sem_alloc : memref<!tpu.dma_semaphore, #tpu.memory_space<semaphore_mem>>
        %dma_start3A_66 = arith.constant 0 : i32
        %dma_start3A_67 = tpu.memref_slice %arg3[%run_scoped3A_51, %add3A_50, %dma_start3A_66] : memref<2x2500x128xi32, #tpu.memory_space<hbm>> -> memref<1x1x128xi32, #tpu.memory_space<hbm>>
        %dma_start3A_68 = tpu.memref_squeeze %dma_start3A_67 : memref<1x1x128xi32, #tpu.memory_space<hbm>> -> memref<128xi32, #tpu.memory_space<hbm>>
        %dma_start3A_69 = arith.constant 0 : i32
        %dma_start3A_70 = tpu.memref_slice %arg3[%run_scoped3A_51, %add3A_50, %dma_start3A_69] : memref<2x2500x128xi32, #tpu.memory_space<hbm>> -> memref<1x1x128xi32, #tpu.memory_space<hbm>>
        %dma_start3A_71 = tpu.memref_squeeze %dma_start3A_70 : memref<1x1x128xi32, #tpu.memory_space<hbm>> -> memref<128xi32, #tpu.memory_space<hbm>>
        tpu.enqueue_dma source(%dma_start3A_71 : memref<128xi32, #tpu.memory_space<hbm>>) target(%arg9 : memref<128xi32, #tpu.memory_space<vmem>>) target_semaphore(%run_scoped3A_65 : memref<!tpu.dma_semaphore, #tpu.memory_space<semaphore_mem>>)
        %dma_wait3A_72 = arith.constant 0 : i32
        %dma_wait3A_73 = tpu.memref_slice %arg3[%run_scoped3A_51, %add3A_50, %dma_wait3A_72] : memref<2x2500x128xi32, #tpu.memory_space<hbm>> -> memref<1x1x128xi32, #tpu.memory_space<hbm>>
        %dma_wait3A_74 = tpu.memref_squeeze %dma_wait3A_73 : memref<1x1x128xi32, #tpu.memory_space<hbm>> -> memref<128xi32, #tpu.memory_space<hbm>>
        %dma_wait3A_75 = arith.constant 0 : i32
        %dma_wait3A_76 = tpu.memref_slice %arg3[%run_scoped3A_51, %add3A_50, %dma_wait3A_75] : memref<2x2500x128xi32, #tpu.memory_space<hbm>> -> memref<1x1x128xi32, #tpu.memory_space<hbm>>
        %dma_wait3A_77 = tpu.memref_squeeze %dma_wait3A_76 : memref<1x1x128xi32, #tpu.memory_space<hbm>> -> memref<128xi32, #tpu.memory_space<hbm>>
        tpu.wait_dma2 semaphore(%run_scoped3A_65 : memref<!tpu.dma_semaphore, #tpu.memory_space<semaphore_mem>>) src(%dma_wait3A_77 : memref<128xi32, #tpu.memory_space<hbm>>) dst(%arg9 : memref<128xi32, #tpu.memory_space<vmem>>)
        tpu.yield
      }) : () -> ()
      %dma_start3A_52 = arith.constant 0 : i32
      %dma_start3A_53 = arith.constant 0 : i32
      %dma_start3A_54 = tpu.memref_slice %arg2[%dma_start3A_52, %dma_start3A_53] : memref<10240x128xf32, #tpu.memory_space<hbm>> -> memref<10240x128xf32, #tpu.memory_space<hbm>>
      tpu.enqueue_indirect_dma source(%dma_start3A_54 : memref<10240x128xf32, #tpu.memory_space<hbm>>) target(%arg11 : memref<128x128xf32, #tpu.memory_space<vmem>>) offsets(%arg7 : memref<128xi32, #tpu.memory_space<vmem>>) semaphore(%arg14 : memref<!tpu.dma_semaphore, #tpu.memory_space<semaphore_mem>>)
      %dma_wait3A = arith.constant 0 : i32
      %dma_wait3A_55 = arith.constant 0 : i32
      %dma_wait3A_56 = tpu.memref_slice %arg2[%dma_wait3A, %dma_wait3A_55] : memref<10240x128xf32, #tpu.memory_space<hbm>> -> memref<10240x128xf32, #tpu.memory_space<hbm>>
      tpu.wait_indirect_dma semaphore(%arg13 : memref<!tpu.dma_semaphore, #tpu.memory_space<semaphore_mem>>) src(%dma_wait3A_56 : memref<10240x128xf32, #tpu.memory_space<hbm>>) dst(%arg10 : memref<128x128xf32, #tpu.memory_space<vmem>>)
      "tpu.region"() ({
        %run_scoped3A_65 = tpu.sem_alloc : memref<!tpu.dma_semaphore, #tpu.memory_space<semaphore_mem>>
        %dma_start3A_66 = arith.constant 0 : i32
        %dma_start3A_67 = arith.constant 0 : i32
        %dma_start3A_68 = tpu.memref_slice %arg12[%dma_start3A_66, %dma_start3A_67] : memref<10240x128xf32, #tpu.memory_space<vmem_shared>> -> memref<10240x128xf32, #tpu.memory_space<vmem_shared>>
        tpu.enqueue_indirect_dma source(%arg10 : memref<128x128xf32, #tpu.memory_space<vmem>>) target(%dma_start3A_68 : memref<10240x128xf32, #tpu.memory_space<vmem_shared>>) offsets(%arg8 : memref<128xi32, #tpu.memory_space<vmem>>) semaphore(%run_scoped3A_65 : memref<!tpu.dma_semaphore, #tpu.memory_space<semaphore_mem>>) {add = true}
        %dma_wait3A_69 = arith.constant 0 : i32
        %dma_wait3A_70 = arith.constant 0 : i32
        %dma_wait3A_71 = tpu.memref_slice %arg12[%dma_wait3A_69, %dma_wait3A_70] : memref<10240x128xf32, #tpu.memory_space<vmem_shared>> -> memref<10240x128xf32, #tpu.memory_space<vmem_shared>>
        tpu.wait_indirect_dma semaphore(%run_scoped3A_65 : memref<!tpu.dma_semaphore, #tpu.memory_space<semaphore_mem>>) src(%arg10 : memref<128x128xf32, #tpu.memory_space<vmem>>) dst(%dma_wait3A_71 : memref<10240x128xf32, #tpu.memory_space<vmem_shared>>)
        tpu.yield
      }) : () -> ()
      %add3A_57 = arith.constant 2 : i32
      %add3A_58 = arith.addi %add3A_45, %add3A_57 : i32
      %add3A_59 = arith.addi %add3A_6, %select_n3A : i32
      %lt3A_60 = arith.cmpi slt, %add3A_58, %add3A_59 : i32
      %convert_element_type3A = arith.extui %lt3A_60 : i1 to i32
      %cond3A = arith.constant 0 : i32
      %cond3A_61 = arith.cmpi ne, %convert_element_type3A, %cond3A : i32
      scf.if %cond3A_61 {
        %add3A_65 = arith.constant 2 : i32
        %add3A_66 = arith.addi %add3A_45, %add3A_65 : i32
        %run_scoped3A_67 = arith.constant 0 : i32
        "tpu.region"() ({
          %run_scoped3A_74 = tpu.sem_alloc : memref<!tpu.dma_semaphore, #tpu.memory_space<semaphore_mem>>
          %dma_start3A_75 = arith.constant 0 : i32
          %dma_start3A_76 = tpu.memref_slice %arg3[%run_scoped3A_67, %add3A_66, %dma_start3A_75] : memref<2x2500x128xi32, #tpu.memory_space<hbm>> -> memref<1x1x128xi32, #tpu.memory_space<hbm>>
          %dma_start3A_77 = tpu.memref_squeeze %dma_start3A_76 : memref<1x1x128xi32, #tpu.memory_space<hbm>> -> memref<128xi32, #tpu.memory_space<hbm>>
          %dma_start3A_78 = arith.constant 0 : i32
          %dma_start3A_79 = tpu.memref_slice %arg3[%run_scoped3A_67, %add3A_66, %dma_start3A_78] : memref<2x2500x128xi32, #tpu.memory_space<hbm>> -> memref<1x1x128xi32, #tpu.memory_space<hbm>>
          %dma_start3A_80 = tpu.memref_squeeze %dma_start3A_79 : memref<1x1x128xi32, #tpu.memory_space<hbm>> -> memref<128xi32, #tpu.memory_space<hbm>>
          tpu.enqueue_dma source(%dma_start3A_80 : memref<128xi32, #tpu.memory_space<hbm>>) target(%arg6 : memref<128xi32, #tpu.memory_space<vmem>>) target_semaphore(%run_scoped3A_74 : memref<!tpu.dma_semaphore, #tpu.memory_space<semaphore_mem>>)
          %dma_wait3A_81 = arith.constant 0 : i32
          %dma_wait3A_82 = tpu.memref_slice %arg3[%run_scoped3A_67, %add3A_66, %dma_wait3A_81] : memref<2x2500x128xi32, #tpu.memory_space<hbm>> -> memref<1x1x128xi32, #tpu.memory_space<hbm>>
          %dma_wait3A_83 = tpu.memref_squeeze %dma_wait3A_82 : memref<1x1x128xi32, #tpu.memory_space<hbm>> -> memref<128xi32, #tpu.memory_space<hbm>>
          %dma_wait3A_84 = arith.constant 0 : i32
          %dma_wait3A_85 = tpu.memref_slice %arg3[%run_scoped3A_67, %add3A_66, %dma_wait3A_84] : memref<2x2500x128xi32, #tpu.memory_space<hbm>> -> memref<1x1x128xi32, #tpu.memory_space<hbm>>
          %dma_wait3A_86 = tpu.memref_squeeze %dma_wait3A_85 : memref<1x1x128xi32, #tpu.memory_space<hbm>> -> memref<128xi32, #tpu.memory_space<hbm>>
          tpu.wait_dma2 semaphore(%run_scoped3A_74 : memref<!tpu.dma_semaphore, #tpu.memory_space<semaphore_mem>>) src(%dma_wait3A_86 : memref<128xi32, #tpu.memory_space<hbm>>) dst(%arg6 : memref<128xi32, #tpu.memory_space<vmem>>)
          tpu.yield
        }) : () -> ()
        %add3A_68 = arith.constant 2 : i32
        %add3A_69 = arith.addi %add3A_45, %add3A_68 : i32
        %run_scoped3A_70 = arith.constant 1 : i32
        "tpu.region"() ({
          %run_scoped3A_74 = tpu.sem_alloc : memref<!tpu.dma_semaphore, #tpu.memory_space<semaphore_mem>>
          %dma_start3A_75 = arith.constant 0 : i32
          %dma_start3A_76 = tpu.memref_slice %arg3[%run_scoped3A_70, %add3A_69, %dma_start3A_75] : memref<2x2500x128xi32, #tpu.memory_space<hbm>> -> memref<1x1x128xi32, #tpu.memory_space<hbm>>
          %dma_start3A_77 = tpu.memref_squeeze %dma_start3A_76 : memref<1x1x128xi32, #tpu.memory_space<hbm>> -> memref<128xi32, #tpu.memory_space<hbm>>
          %dma_start3A_78 = arith.constant 0 : i32
          %dma_start3A_79 = tpu.memref_slice %arg3[%run_scoped3A_70, %add3A_69, %dma_start3A_78] : memref<2x2500x128xi32, #tpu.memory_space<hbm>> -> memref<1x1x128xi32, #tpu.memory_space<hbm>>
          %dma_start3A_80 = tpu.memref_squeeze %dma_start3A_79 : memref<1x1x128xi32, #tpu.memory_space<hbm>> -> memref<128xi32, #tpu.memory_space<hbm>>
          tpu.enqueue_dma source(%dma_start3A_80 : memref<128xi32, #tpu.memory_space<hbm>>) target(%arg8 : memref<128xi32, #tpu.memory_space<vmem>>) target_semaphore(%run_scoped3A_74 : memref<!tpu.dma_semaphore, #tpu.memory_space<semaphore_mem>>)
          %dma_wait3A_81 = arith.constant 0 : i32
          %dma_wait3A_82 = tpu.memref_slice %arg3[%run_scoped3A_70, %add3A_69, %dma_wait3A_81] : memref<2x2500x128xi32, #tpu.memory_space<hbm>> -> memref<1x1x128xi32, #tpu.memory_space<hbm>>
          %dma_wait3A_83 = tpu.memref_squeeze %dma_wait3A_82 : memref<1x1x128xi32, #tpu.memory_space<hbm>> -> memref<128xi32, #tpu.memory_space<hbm>>
          %dma_wait3A_84 = arith.constant 0 : i32
          %dma_wait3A_85 = tpu.memref_slice %arg3[%run_scoped3A_70, %add3A_69, %dma_wait3A_84] : memref<2x2500x128xi32, #tpu.memory_space<hbm>> -> memref<1x1x128xi32, #tpu.memory_space<hbm>>
          %dma_wait3A_86 = tpu.memref_squeeze %dma_wait3A_85 : memref<1x1x128xi32, #tpu.memory_space<hbm>> -> memref<128xi32, #tpu.memory_space<hbm>>
          tpu.wait_dma2 semaphore(%run_scoped3A_74 : memref<!tpu.dma_semaphore, #tpu.memory_space<semaphore_mem>>) src(%dma_wait3A_86 : memref<128xi32, #tpu.memory_space<hbm>>) dst(%arg8 : memref<128xi32, #tpu.memory_space<vmem>>)
          tpu.yield
        }) : () -> ()
        %dma_start3A_71 = arith.constant 0 : i32
        %dma_start3A_72 = arith.constant 0 : i32
        %dma_start3A_73 = tpu.memref_slice %arg2[%dma_start3A_71, %dma_start3A_72] : memref<10240x128xf32, #tpu.memory_space<hbm>> -> memref<10240x128xf32, #tpu.memory_space<hbm>>
        tpu.enqueue_indirect_dma source(%dma_start3A_73 : memref<10240x128xf32, #tpu.memory_space<hbm>>) target(%arg10 : memref<128x128xf32, #tpu.memory_space<vmem>>) offsets(%arg6 : memref<128xi32, #tpu.memory_space<vmem>>) semaphore(%arg13 : memref<!tpu.dma_semaphore, #tpu.memory_space<semaphore_mem>>)
      } else {
      }
      %dma_wait3A_62 = arith.constant 0 : i32
      %dma_wait3A_63 = arith.constant 0 : i32
      %dma_wait3A_64 = tpu.memref_slice %arg2[%dma_wait3A_62, %dma_wait3A_63] : memref<10240x128xf32, #tpu.memory_space<hbm>> -> memref<10240x128xf32, #tpu.memory_space<hbm>>
      tpu.wait_indirect_dma semaphore(%arg14 : memref<!tpu.dma_semaphore, #tpu.memory_space<semaphore_mem>>) src(%dma_wait3A_64 : memref<10240x128xf32, #tpu.memory_space<hbm>>) dst(%arg11 : memref<128x128xf32, #tpu.memory_space<vmem>>)
      "tpu.region"() ({
        %run_scoped3A_65 = tpu.sem_alloc : memref<!tpu.dma_semaphore, #tpu.memory_space<semaphore_mem>>
        %dma_start3A_66 = arith.constant 0 : i32
        %dma_start3A_67 = arith.constant 0 : i32
        %dma_start3A_68 = tpu.memref_slice %arg12[%dma_start3A_66, %dma_start3A_67] : memref<10240x128xf32, #tpu.memory_space<vmem_shared>> -> memref<10240x128xf32, #tpu.memory_space<vmem_shared>>
        tpu.enqueue_indirect_dma source(%arg11 : memref<128x128xf32, #tpu.memory_space<vmem>>) target(%dma_start3A_68 : memref<10240x128xf32, #tpu.memory_space<vmem_shared>>) offsets(%arg9 : memref<128xi32, #tpu.memory_space<vmem>>) semaphore(%run_scoped3A_65 : memref<!tpu.dma_semaphore, #tpu.memory_space<semaphore_mem>>) {add = true}
        %dma_wait3A_69 = arith.constant 0 : i32
        %dma_wait3A_70 = arith.constant 0 : i32
        %dma_wait3A_71 = tpu.memref_slice %arg12[%dma_wait3A_69, %dma_wait3A_70] : memref<10240x128xf32, #tpu.memory_space<vmem_shared>> -> memref<10240x128xf32, #tpu.memory_space<vmem_shared>>
        tpu.wait_indirect_dma semaphore(%run_scoped3A_65 : memref<!tpu.dma_semaphore, #tpu.memory_space<semaphore_mem>>) src(%arg11 : memref<128x128xf32, #tpu.memory_space<vmem>>) dst(%dma_wait3A_71 : memref<10240x128xf32, #tpu.memory_space<vmem_shared>>)
        tpu.yield
      }) : () -> ()
    }
    %while3A_40 = arith.constant 1 : i32
    scf.for %while3A_42 = %while3A_38 to %while3A_34 step %while3A_40  : i32 {
      %mul3A_43 = arith.constant 2 : i32
      %mul3A_44 = arith.muli %mul3A_43, %while3A_42 : i32
      %add3A_45 = arith.addi %add3A_6, %mul3A_44 : i32
      %add3A_46 = arith.constant 1 : i32
      %add3A_47 = arith.addi %add3A_45, %add3A_46 : i32
      %run_scoped3A_48 = arith.constant 0 : i32
      "tpu.region"() ({
        %run_scoped3A_65 = tpu.sem_alloc : memref<!tpu.dma_semaphore, #tpu.memory_space<semaphore_mem>>
        %dma_start3A_66 = arith.constant 0 : i32
        %dma_start3A_67 = tpu.memref_slice %arg3[%run_scoped3A_48, %add3A_47, %dma_start3A_66] : memref<2x2500x128xi32, #tpu.memory_space<hbm>> -> memref<1x1x128xi32, #tpu.memory_space<hbm>>
        %dma_start3A_68 = tpu.memref_squeeze %dma_start3A_67 : memref<1x1x128xi32, #tpu.memory_space<hbm>> -> memref<128xi32, #tpu.memory_space<hbm>>
        %dma_start3A_69 = arith.constant 0 : i32
        %dma_start3A_70 = tpu.memref_slice %arg3[%run_scoped3A_48, %add3A_47, %dma_start3A_69] : memref<2x2500x128xi32, #tpu.memory_space<hbm>> -> memref<1x1x128xi32, #tpu.memory_space<hbm>>
        %dma_start3A_71 = tpu.memref_squeeze %dma_start3A_70 : memref<1x1x128xi32, #tpu.memory_space<hbm>> -> memref<128xi32, #tpu.memory_space<hbm>>
        tpu.enqueue_dma source(%dma_start3A_71 : memref<128xi32, #tpu.memory_space<hbm>>) target(%arg7 : memref<128xi32, #tpu.memory_space<vmem>>) target_semaphore(%run_scoped3A_65 : memref<!tpu.dma_semaphore, #tpu.memory_space<semaphore_mem>>)
        %dma_wait3A_72 = arith.constant 0 : i32
        %dma_wait3A_73 = tpu.memref_slice %arg3[%run_scoped3A_48, %add3A_47, %dma_wait3A_72] : memref<2x2500x128xi32, #tpu.memory_space<hbm>> -> memref<1x1x128xi32, #tpu.memory_space<hbm>>
        %dma_wait3A_74 = tpu.memref_squeeze %dma_wait3A_73 : memref<1x1x128xi32, #tpu.memory_space<hbm>> -> memref<128xi32, #tpu.memory_space<hbm>>
        %dma_wait3A_75 = arith.constant 0 : i32
        %dma_wait3A_76 = tpu.memref_slice %arg3[%run_scoped3A_48, %add3A_47, %dma_wait3A_75] : memref<2x2500x128xi32, #tpu.memory_space<hbm>> -> memref<1x1x128xi32, #tpu.memory_space<hbm>>
        %dma_wait3A_77 = tpu.memref_squeeze %dma_wait3A_76 : memref<1x1x128xi32, #tpu.memory_space<hbm>> -> memref<128xi32, #tpu.memory_space<hbm>>
        tpu.wait_dma2 semaphore(%run_scoped3A_65 : memref<!tpu.dma_semaphore, #tpu.memory_space<semaphore_mem>>) src(%dma_wait3A_77 : memref<128xi32, #tpu.memory_space<hbm>>) dst(%arg7 : memref<128xi32, #tpu.memory_space<vmem>>)
        tpu.yield
      }) : () -> ()
      %add3A_49 = arith.constant 1 : i32
      %add3A_50 = arith.addi %add3A_45, %add3A_49 : i32
      %run_scoped3A_51 = arith.constant 1 : i32
      "tpu.region"() ({
        %run_scoped3A_65 = tpu.sem_alloc : memref<!tpu.dma_semaphore, #tpu.memory_space<semaphore_mem>>
        %dma_start3A_66 = arith.constant 0 : i32
        %dma_start3A_67 = tpu.memref_slice %arg3[%run_scoped3A_51, %add3A_50, %dma_start3A_66] : memref<2x2500x128xi32, #tpu.memory_space<hbm>> -> memref<1x1x128xi32, #tpu.memory_space<hbm>>
        %dma_start3A_68 = tpu.memref_squeeze %dma_start3A_67 : memref<1x1x128xi32, #tpu.memory_space<hbm>> -> memref<128xi32, #tpu.memory_space<hbm>>
        %dma_start3A_69 = arith.constant 0 : i32
        %dma_start3A_70 = tpu.memref_slice %arg3[%run_scoped3A_51, %add3A_50, %dma_start3A_69] : memref<2x2500x128xi32, #tpu.memory_space<hbm>> -> memref<1x1x128xi32, #tpu.memory_space<hbm>>
        %dma_start3A_71 = tpu.memref_squeeze %dma_start3A_70 : memref<1x1x128xi32, #tpu.memory_space<hbm>> -> memref<128xi32, #tpu.memory_space<hbm>>
        tpu.enqueue_dma source(%dma_start3A_71 : memref<128xi32, #tpu.memory_space<hbm>>) target(%arg9 : memref<128xi32, #tpu.memory_space<vmem>>) target_semaphore(%run_scoped3A_65 : memref<!tpu.dma_semaphore, #tpu.memory_space<semaphore_mem>>)
        %dma_wait3A_72 = arith.constant 0 : i32
        %dma_wait3A_73 = tpu.memref_slice %arg3[%run_scoped3A_51, %add3A_50, %dma_wait3A_72] : memref<2x2500x128xi32, #tpu.memory_space<hbm>> -> memref<1x1x128xi32, #tpu.memory_space<hbm>>
        %dma_wait3A_74 = tpu.memref_squeeze %dma_wait3A_73 : memref<1x1x128xi32, #tpu.memory_space<hbm>> -> memref<128xi32, #tpu.memory_space<hbm>>
        %dma_wait3A_75 = arith.constant 0 : i32
        %dma_wait3A_76 = tpu.memref_slice %arg3[%run_scoped3A_51, %add3A_50, %dma_wait3A_75] : memref<2x2500x128xi32, #tpu.memory_space<hbm>> -> memref<1x1x128xi32, #tpu.memory_space<hbm>>
        %dma_wait3A_77 = tpu.memref_squeeze %dma_wait3A_76 : memref<1x1x128xi32, #tpu.memory_space<hbm>> -> memref<128xi32, #tpu.memory_space<hbm>>
        tpu.wait_dma2 semaphore(%run_scoped3A_65 : memref<!tpu.dma_semaphore, #tpu.memory_space<semaphore_mem>>) src(%dma_wait3A_77 : memref<128xi32, #tpu.memory_space<hbm>>) dst(%arg9 : memref<128xi32, #tpu.memory_space<vmem>>)
        tpu.yield
      }) : () -> ()
      %dma_start3A_52 = arith.constant 0 : i32
      %dma_start3A_53 = arith.constant 0 : i32
      %dma_start3A_54 = tpu.memref_slice %arg2[%dma_start3A_52, %dma_start3A_53] : memref<10240x128xf32, #tpu.memory_space<hbm>> -> memref<10240x128xf32, #tpu.memory_space<hbm>>
      tpu.enqueue_indirect_dma source(%dma_start3A_54 : memref<10240x128xf32, #tpu.memory_space<hbm>>) target(%arg11 : memref<128x128xf32, #tpu.memory_space<vmem>>) offsets(%arg7 : memref<128xi32, #tpu.memory_space<vmem>>) semaphore(%arg14 : memref<!tpu.dma_semaphore, #tpu.memory_space<semaphore_mem>>)
      %dma_wait3A = arith.constant 0 : i32
      %dma_wait3A_55 = arith.constant 0 : i32
      %dma_wait3A_56 = tpu.memref_slice %arg2[%dma_wait3A, %dma_wait3A_55] : memref<10240x128xf32, #tpu.memory_space<hbm>> -> memref<10240x128xf32, #tpu.memory_space<hbm>>
      tpu.wait_indirect_dma semaphore(%arg13 : memref<!tpu.dma_semaphore, #tpu.memory_space<semaphore_mem>>) src(%dma_wait3A_56 : memref<10240x128xf32, #tpu.memory_space<hbm>>) dst(%arg10 : memref<128x128xf32, #tpu.memory_space<vmem>>)
      "tpu.region"() ({
        %run_scoped3A_65 = tpu.sem_alloc : memref<!tpu.dma_semaphore, #tpu.memory_space<semaphore_mem>>
        %dma_start3A_66 = arith.constant 0 : i32
        %dma_start3A_67 = arith.constant 0 : i32
        %dma_start3A_68 = tpu.memref_slice %arg12[%dma_start3A_66, %dma_start3A_67] : memref<10240x128xf32, #tpu.memory_space<vmem_shared>> -> memref<10240x128xf32, #tpu.memory_space<vmem_shared>>
        tpu.enqueue_indirect_dma source(%arg10 : memref<128x128xf32, #tpu.memory_space<vmem>>) target(%dma_start3A_68 : memref<10240x128xf32, #tpu.memory_space<vmem_shared>>) offsets(%arg8 : memref<128xi32, #tpu.memory_space<vmem>>) semaphore(%run_scoped3A_65 : memref<!tpu.dma_semaphore, #tpu.memory_space<semaphore_mem>>) {add = true}
        %dma_wait3A_69 = arith.constant 0 : i32
        %dma_wait3A_70 = arith.constant 0 : i32
        %dma_wait3A_71 = tpu.memref_slice %arg12[%dma_wait3A_69, %dma_wait3A_70] : memref<10240x128xf32, #tpu.memory_space<vmem_shared>> -> memref<10240x128xf32, #tpu.memory_space<vmem_shared>>
        tpu.wait_indirect_dma semaphore(%run_scoped3A_65 : memref<!tpu.dma_semaphore, #tpu.memory_space<semaphore_mem>>) src(%arg10 : memref<128x128xf32, #tpu.memory_space<vmem>>) dst(%dma_wait3A_71 : memref<10240x128xf32, #tpu.memory_space<vmem_shared>>)
        tpu.yield
      }) : () -> ()
      %add3A_57 = arith.constant 2 : i32
      %add3A_58 = arith.addi %add3A_45, %add3A_57 : i32
      %add3A_59 = arith.addi %add3A_6, %select_n3A : i32
      %lt3A_60 = arith.cmpi slt, %add3A_58, %add3A_59 : i32
      %convert_element_type3A = arith.extui %lt3A_60 : i1 to i32
      %cond3A = arith.constant 0 : i32
      %cond3A_61 = arith.cmpi ne, %convert_element_type3A, %cond3A : i32
      scf.if %cond3A_61 {
        %add3A_65 = arith.constant 2 : i32
        %add3A_66 = arith.addi %add3A_45, %add3A_65 : i32
        %run_scoped3A_67 = arith.constant 0 : i32
        "tpu.region"() ({
          %run_scoped3A_74 = tpu.sem_alloc : memref<!tpu.dma_semaphore, #tpu.memory_space<semaphore_mem>>
          %dma_start3A_75 = arith.constant 0 : i32
          %dma_start3A_76 = tpu.memref_slice %arg3[%run_scoped3A_67, %add3A_66, %dma_start3A_75] : memref<2x2500x128xi32, #tpu.memory_space<hbm>> -> memref<1x1x128xi32, #tpu.memory_space<hbm>>
          %dma_start3A_77 = tpu.memref_squeeze %dma_start3A_76 : memref<1x1x128xi32, #tpu.memory_space<hbm>> -> memref<128xi32, #tpu.memory_space<hbm>>
          %dma_start3A_78 = arith.constant 0 : i32
          %dma_start3A_79 = tpu.memref_slice %arg3[%run_scoped3A_67, %add3A_66, %dma_start3A_78] : memref<2x2500x128xi32, #tpu.memory_space<hbm>> -> memref<1x1x128xi32, #tpu.memory_space<hbm>>
          %dma_start3A_80 = tpu.memref_squeeze %dma_start3A_79 : memref<1x1x128xi32, #tpu.memory_space<hbm>> -> memref<128xi32, #tpu.memory_space<hbm>>
          tpu.enqueue_dma source(%dma_start3A_80 : memref<128xi32, #tpu.memory_space<hbm>>) target(%arg6 : memref<128xi32, #tpu.memory_space<vmem>>) target_semaphore(%run_scoped3A_74 : memref<!tpu.dma_semaphore, #tpu.memory_space<semaphore_mem>>)
          %dma_wait3A_81 = arith.constant 0 : i32
          %dma_wait3A_82 = tpu.memref_slice %arg3[%run_scoped3A_67, %add3A_66, %dma_wait3A_81] : memref<2x2500x128xi32, #tpu.memory_space<hbm>> -> memref<1x1x128xi32, #tpu.memory_space<hbm>>
          %dma_wait3A_83 = tpu.memref_squeeze %dma_wait3A_82 : memref<1x1x128xi32, #tpu.memory_space<hbm>> -> memref<128xi32, #tpu.memory_space<hbm>>
          %dma_wait3A_84 = arith.constant 0 : i32
          %dma_wait3A_85 = tpu.memref_slice %arg3[%run_scoped3A_67, %add3A_66, %dma_wait3A_84] : memref<2x2500x128xi32, #tpu.memory_space<hbm>> -> memref<1x1x128xi32, #tpu.memory_space<hbm>>
          %dma_wait3A_86 = tpu.memref_squeeze %dma_wait3A_85 : memref<1x1x128xi32, #tpu.memory_space<hbm>> -> memref<128xi32, #tpu.memory_space<hbm>>
          tpu.wait_dma2 semaphore(%run_scoped3A_74 : memref<!tpu.dma_semaphore, #tpu.memory_space<semaphore_mem>>) src(%dma_wait3A_86 : memref<128xi32, #tpu.memory_space<hbm>>) dst(%arg6 : memref<128xi32, #tpu.memory_space<vmem>>)
          tpu.yield
        }) : () -> ()
        %add3A_68 = arith.constant 2 : i32
        %add3A_69 = arith.addi %add3A_45, %add3A_68 : i32
        %run_scoped3A_70 = arith.constant 1 : i32
        "tpu.region"() ({
          %run_scoped3A_74 = tpu.sem_alloc : memref<!tpu.dma_semaphore, #tpu.memory_space<semaphore_mem>>
          %dma_start3A_75 = arith.constant 0 : i32
          %dma_start3A_76 = tpu.memref_slice %arg3[%run_scoped3A_70, %add3A_69, %dma_start3A_75] : memref<2x2500x128xi32, #tpu.memory_space<hbm>> -> memref<1x1x128xi32, #tpu.memory_space<hbm>>
          %dma_start3A_77 = tpu.memref_squeeze %dma_start3A_76 : memref<1x1x128xi32, #tpu.memory_space<hbm>> -> memref<128xi32, #tpu.memory_space<hbm>>
          %dma_start3A_78 = arith.constant 0 : i32
          %dma_start3A_79 = tpu.memref_slice %arg3[%run_scoped3A_70, %add3A_69, %dma_start3A_78] : memref<2x2500x128xi32, #tpu.memory_space<hbm>> -> memref<1x1x128xi32, #tpu.memory_space<hbm>>
          %dma_start3A_80 = tpu.memref_squeeze %dma_start3A_79 : memref<1x1x128xi32, #tpu.memory_space<hbm>> -> memref<128xi32, #tpu.memory_space<hbm>>
          tpu.enqueue_dma source(%dma_start3A_80 : memref<128xi32, #tpu.memory_space<hbm>>) target(%arg8 : memref<128xi32, #tpu.memory_space<vmem>>) target_semaphore(%run_scoped3A_74 : memref<!tpu.dma_semaphore, #tpu.memory_space<semaphore_mem>>)
          %dma_wait3A_81 = arith.constant 0 : i32
          %dma_wait3A_82 = tpu.memref_slice %arg3[%run_scoped3A_70, %add3A_69, %dma_wait3A_81] : memref<2x2500x128xi32, #tpu.memory_space<hbm>> -> memref<1x1x128xi32, #tpu.memory_space<hbm>>
          %dma_wait3A_83 = tpu.memref_squeeze %dma_wait3A_82 : memref<1x1x128xi32, #tpu.memory_space<hbm>> -> memref<128xi32, #tpu.memory_space<hbm>>
          %dma_wait3A_84 = arith.constant 0 : i32
          %dma_wait3A_85 = tpu.memref_slice %arg3[%run_scoped3A_70, %add3A_69, %dma_wait3A_84] : memref<2x2500x128xi32, #tpu.memory_space<hbm>> -> memref<1x1x128xi32, #tpu.memory_space<hbm>>
          %dma_wait3A_86 = tpu.memref_squeeze %dma_wait3A_85 : memref<1x1x128xi32, #tpu.memory_space<hbm>> -> memref<128xi32, #tpu.memory_space<hbm>>
          tpu.wait_dma2 semaphore(%run_scoped3A_74 : memref<!tpu.dma_semaphore, #tpu.memory_space<semaphore_mem>>) src(%dma_wait3A_86 : memref<128xi32, #tpu.memory_space<hbm>>) dst(%arg8 : memref<128xi32, #tpu.memory_space<vmem>>)
          tpu.yield
        }) : () -> ()
        %dma_start3A_71 = arith.constant 0 : i32
        %dma_start3A_72 = arith.constant 0 : i32
        %dma_start3A_73 = tpu.memref_slice %arg2[%dma_start3A_71, %dma_start3A_72] : memref<10240x128xf32, #tpu.memory_space<hbm>> -> memref<10240x128xf32, #tpu.memory_space<hbm>>
        tpu.enqueue_indirect_dma source(%dma_start3A_73 : memref<10240x128xf32, #tpu.memory_space<hbm>>) target(%arg10 : memref<128x128xf32, #tpu.memory_space<vmem>>) offsets(%arg6 : memref<128xi32, #tpu.memory_space<vmem>>) semaphore(%arg13 : memref<!tpu.dma_semaphore, #tpu.memory_space<semaphore_mem>>)
      } else {
      }
      %dma_wait3A_62 = arith.constant 0 : i32
      %dma_wait3A_63 = arith.constant 0 : i32
      %dma_wait3A_64 = tpu.memref_slice %arg2[%dma_wait3A_62, %dma_wait3A_63] : memref<10240x128xf32, #tpu.memory_space<hbm>> -> memref<10240x128xf32, #tpu.memory_space<hbm>>
      tpu.wait_indirect_dma semaphore(%arg14 : memref<!tpu.dma_semaphore, #tpu.memory_space<semaphore_mem>>) src(%dma_wait3A_64 : memref<10240x128xf32, #tpu.memory_space<hbm>>) dst(%arg11 : memref<128x128xf32, #tpu.memory_space<vmem>>)
      "tpu.region"() ({
        %run_scoped3A_65 = tpu.sem_alloc : memref<!tpu.dma_semaphore, #tpu.memory_space<semaphore_mem>>
        %dma_start3A_66 = arith.constant 0 : i32
        %dma_start3A_67 = arith.constant 0 : i32
        %dma_start3A_68 = tpu.memref_slice %arg12[%dma_start3A_66, %dma_start3A_67] : memref<10240x128xf32, #tpu.memory_space<vmem_shared>> -> memref<10240x128xf32, #tpu.memory_space<vmem_shared>>
        tpu.enqueue_indirect_dma source(%arg11 : memref<128x128xf32, #tpu.memory_space<vmem>>) target(%dma_start3A_68 : memref<10240x128xf32, #tpu.memory_space<vmem_shared>>) offsets(%arg9 : memref<128xi32, #tpu.memory_space<vmem>>) semaphore(%run_scoped3A_65 : memref<!tpu.dma_semaphore, #tpu.memory_space<semaphore_mem>>) {add = true}
        %dma_wait3A_69 = arith.constant 0 : i32
        %dma_wait3A_70 = arith.constant 0 : i32
        %dma_wait3A_71 = tpu.memref_slice %arg12[%dma_wait3A_69, %dma_wait3A_70] : memref<10240x128xf32, #tpu.memory_space<vmem_shared>> -> memref<10240x128xf32, #tpu.memory_space<vmem_shared>>
        tpu.wait_indirect_dma semaphore(%run_scoped3A_65 : memref<!tpu.dma_semaphore, #tpu.memory_space<semaphore_mem>>) src(%arg11 : memref<128x128xf32, #tpu.memory_space<vmem>>) dst(%dma_wait3A_71 : memref<10240x128xf32, #tpu.memory_space<vmem_shared>>)
        tpu.yield
      }) : () -> ()
    }
    %barrier3A_41 = arith.constant 0 : index
    tpu.barrier barrier_id(%barrier3A_41)
    "tpu.region"() ({
      %run_scoped3A_42 = tpu.sem_alloc : memref<!tpu.dma_semaphore, #tpu.memory_space<semaphore_mem>>
      %dma_start3A_43 = arith.constant 0 : i32
      %dma_start3A_44 = tpu.memref_slice %arg5[%arg0, %mul3A_10, %dma_start3A_43] : memref<2x10240x128xf32, #tpu.memory_space<hbm>> -> memref<1x640x128xf32, #tpu.memory_space<hbm>>
      %dma_start3A_45 = tpu.memref_squeeze %dma_start3A_44 : memref<1x640x128xf32, #tpu.memory_space<hbm>> -> memref<640x128xf32, #tpu.memory_space<hbm>>
      %dma_start3A_46 = arith.constant 0 : i32
      %dma_start3A_47 = tpu.memref_slice %arg12[%mul3A_10, %dma_start3A_46] : memref<10240x128xf32, #tpu.memory_space<vmem_shared>> -> memref<640x128xf32, #tpu.memory_space<vmem_shared>>
      tpu.enqueue_dma source(%dma_start3A_47 : memref<640x128xf32, #tpu.memory_space<vmem_shared>>) target(%dma_start3A_45 : memref<640x128xf32, #tpu.memory_space<hbm>>) target_semaphore(%run_scoped3A_42 : memref<!tpu.dma_semaphore, #tpu.memory_space<semaphore_mem>>)
      %dma_wait3A = arith.constant 0 : i32
      %dma_wait3A_48 = tpu.memref_slice %arg5[%arg0, %mul3A_10, %dma_wait3A] : memref<2x10240x128xf32, #tpu.memory_space<hbm>> -> memref<1x640x128xf32, #tpu.memory_space<hbm>>
      %dma_wait3A_49 = tpu.memref_squeeze %dma_wait3A_48 : memref<1x640x128xf32, #tpu.memory_space<hbm>> -> memref<640x128xf32, #tpu.memory_space<hbm>>
      %dma_wait3A_50 = arith.constant 0 : i32
      %dma_wait3A_51 = tpu.memref_slice %arg12[%mul3A_10, %dma_wait3A_50] : memref<10240x128xf32, #tpu.memory_space<vmem_shared>> -> memref<640x128xf32, #tpu.memory_space<vmem_shared>>
      tpu.wait_dma2 semaphore(%run_scoped3A_42 : memref<!tpu.dma_semaphore, #tpu.memory_space<semaphore_mem>>) src(%dma_wait3A_51 : memref<640x128xf32, #tpu.memory_space<vmem_shared>>) dst(%dma_wait3A_49 : memref<640x128xf32, #tpu.memory_space<hbm>>)
      tpu.yield
    }) : () -> ()
    return
  }
}

#map = affine_map<(d0, d1) -> (0, 0, 0)>
#map1 = affine_map<(d0, d1) -> (0, 0)>
module attributes {stable_mosaic.version = 14 : i64} {
  func.func @_deg_body(%arg0: i32, %arg1: i32, %arg2: memref<2x2500x128xi32, #tpu.memory_space<hbm>>, %arg3: memref<128x128xf32, #tpu.memory_space<hbm>>, %arg4: memref<640x128xf32, #tpu.memory_space<hbm>>, %arg5: memref<2x10240x128xf32, #tpu.memory_space<hbm>>, %arg6: memref<128xi32, #tpu.memory_space<vmem>>, %arg7: memref<128xi32, #tpu.memory_space<vmem>>, %arg8: memref<128x128xf32, #tpu.memory_space<vmem>>, %arg9: memref<10240x128xf32, #tpu.memory_space<vmem_shared>>, %arg10: memref<!tpu.dma_semaphore, #tpu.memory_space<semaphore_mem>>, %arg11: memref<!tpu.dma_semaphore, #tpu.memory_space<semaphore_mem>>) attributes {dimension_semantics = [#tpu.dimension_semantics<core_parallel>, #tpu.dimension_semantics<subcore_parallel>], iteration_bounds = array<i64: 2, 16>, scalar_prefetch = 0 : i64, scratch_operands = 6 : i64, tpu.core_type = #tpu.core_type<sc_vector_subcore>, window_params = [{transform_indices = #map}, {transform_indices = #map1}, {transform_indices = #map1}, {transform_indices = #map}]} {
    %mul3A = arith.constant 16 : i32
    %mul3A_0 = arith.muli %arg0, %mul3A : i32
    %add3A = arith.addi %mul3A_0, %arg1 : i32
    %mul3A_1 = arith.constant 78 : i32
    %mul3A_2 = arith.muli %add3A, %mul3A_1 : i32
    %min3A = arith.constant 2 : i32
    %min3A_3 = arith.minsi %add3A, %min3A : i32
    %mul3A_4 = arith.constant 2 : i32
    %mul3A_5 = arith.muli %min3A_3, %mul3A_4 : i32
    %add3A_6 = arith.addi %mul3A_2, %mul3A_5 : i32
    %lt3A = arith.constant 2 : i32
    %lt3A_7 = arith.cmpi slt, %add3A, %lt3A : i32
    %jit3A = arith.constant 80 : i32
    %jit3A_8 = arith.constant 78 : i32
    %select_n3A = arith.select %lt3A_7, %jit3A, %jit3A_8 : i32
    %mul3A_9 = arith.constant 640 : i32
    %mul3A_10 = arith.muli %arg1, %mul3A_9 : i32
    "tpu.region"() ({
      %run_scoped3A = tpu.sem_alloc : memref<!tpu.dma_semaphore, #tpu.memory_space<semaphore_mem>>
      %dma_start3A_45 = arith.constant 0 : i32
      %dma_start3A_46 = tpu.memref_slice %arg9[%mul3A_10, %dma_start3A_45] : memref<10240x128xf32, #tpu.memory_space<vmem_shared>> -> memref<640x128xf32, #tpu.memory_space<vmem_shared>>
      tpu.enqueue_dma source(%arg4 : memref<640x128xf32, #tpu.memory_space<hbm>>) target(%dma_start3A_46 : memref<640x128xf32, #tpu.memory_space<vmem_shared>>) target_semaphore(%run_scoped3A : memref<!tpu.dma_semaphore, #tpu.memory_space<semaphore_mem>>)
      %dma_wait3A = arith.constant 0 : i32
      %dma_wait3A_47 = tpu.memref_slice %arg9[%mul3A_10, %dma_wait3A] : memref<10240x128xf32, #tpu.memory_space<vmem_shared>> -> memref<640x128xf32, #tpu.memory_space<vmem_shared>>
      tpu.wait_dma2 semaphore(%run_scoped3A : memref<!tpu.dma_semaphore, #tpu.memory_space<semaphore_mem>>) src(%arg4 : memref<640x128xf32, #tpu.memory_space<hbm>>) dst(%dma_wait3A_47 : memref<640x128xf32, #tpu.memory_space<vmem_shared>>)
      tpu.yield
    }) : () -> ()
    "tpu.region"() ({
      %run_scoped3A = tpu.sem_alloc : memref<!tpu.dma_semaphore, #tpu.memory_space<semaphore_mem>>
      tpu.enqueue_dma source(%arg3 : memref<128x128xf32, #tpu.memory_space<hbm>>) target(%arg8 : memref<128x128xf32, #tpu.memory_space<vmem>>) target_semaphore(%run_scoped3A : memref<!tpu.dma_semaphore, #tpu.memory_space<semaphore_mem>>)
      tpu.wait_dma2 semaphore(%run_scoped3A : memref<!tpu.dma_semaphore, #tpu.memory_space<semaphore_mem>>) src(%arg3 : memref<128x128xf32, #tpu.memory_space<hbm>>) dst(%arg8 : memref<128x128xf32, #tpu.memory_space<vmem>>)
      tpu.yield
    }) : () -> ()
    %barrier3A = arith.constant 0 : index
    tpu.barrier barrier_id(%barrier3A)
    %dma_start3A = arith.constant 1 : i32
    %dma_start3A_11 = arith.constant 0 : i32
    %dma_start3A_12 = tpu.memref_slice %arg2[%dma_start3A, %add3A_6, %dma_start3A_11] : memref<2x2500x128xi32, #tpu.memory_space<hbm>> -> memref<1x1x128xi32, #tpu.memory_space<hbm>>
    %dma_start3A_13 = tpu.memref_squeeze %dma_start3A_12 : memref<1x1x128xi32, #tpu.memory_space<hbm>> -> memref<128xi32, #tpu.memory_space<hbm>>
    %dma_start3A_14 = arith.constant 0 : i32
    %dma_start3A_15 = tpu.memref_slice %arg2[%dma_start3A, %add3A_6, %dma_start3A_14] : memref<2x2500x128xi32, #tpu.memory_space<hbm>> -> memref<1x1x128xi32, #tpu.memory_space<hbm>>
    %dma_start3A_16 = tpu.memref_squeeze %dma_start3A_15 : memref<1x1x128xi32, #tpu.memory_space<hbm>> -> memref<128xi32, #tpu.memory_space<hbm>>
    tpu.enqueue_dma source(%dma_start3A_16 : memref<128xi32, #tpu.memory_space<hbm>>) target(%arg6 : memref<128xi32, #tpu.memory_space<vmem>>) target_semaphore(%arg10 : memref<!tpu.dma_semaphore, #tpu.memory_space<semaphore_mem>>)
    %jit3A_17 = arith.constant 2 : i32
    %div3A = arith.divsi %select_n3A, %jit3A_17 : i32
    %sign3A = arith.constant 0 : i32
    %sign3A_18 = arith.cmpi sgt, %select_n3A, %sign3A : i32
    %sign3A_19 = arith.extui %sign3A_18 : i1 to i32
    %sign3A_20 = arith.constant 0 : i32
    %sign3A_21 = arith.cmpi slt, %select_n3A, %sign3A_20 : i32
    %sign3A_22 = arith.extui %sign3A_21 : i1 to i32
    %sign3A_23 = arith.subi %sign3A_19, %sign3A_22 : i32
    %sign3A_24 = arith.constant 0 : i32
    %sign3A_25 = arith.cmpi sgt, %jit3A_17, %sign3A_24 : i32
    %sign3A_26 = arith.extui %sign3A_25 : i1 to i32
    %sign3A_27 = arith.constant 0 : i32
    %sign3A_28 = arith.cmpi slt, %jit3A_17, %sign3A_27 : i32
    %sign3A_29 = arith.extui %sign3A_28 : i1 to i32
    %sign3A_30 = arith.subi %sign3A_26, %sign3A_29 : i32
    %ne3A = arith.cmpi ne, %sign3A_23, %sign3A_30 : i32
    %rem3A = arith.remsi %select_n3A, %jit3A_17 : i32
    %ne3A_31 = arith.constant 0 : i32
    %ne3A_32 = arith.cmpi ne, %rem3A, %ne3A_31 : i32
    %and3A = arith.andi %ne3A, %ne3A_32 : i1
    %sub3A = arith.constant 1 : i32
    %sub3A_33 = arith.subi %div3A, %sub3A : i32
    %select_n3A_34 = arith.select %and3A, %sub3A_33, %div3A : i32
    %while3A = arith.constant 0 : i32
    %while3A_35 = arith.constant 0 : i32
    %while3A_36 = arith.subi %select_n3A_34, %while3A_35 : i32
    %while3A_37 = arith.addi %while3A_35, %while3A_36 : i32
    %while3A_38 = arith.constant 1 : i32
    %while3A_39 = arith.divsi %while3A_36, %while3A_38 : i32
    %while3A_40 = arith.muli %while3A_39, %while3A_38 : i32
    %while3A_41 = arith.addi %while3A_35, %while3A_40 : i32
    %while3A_42 = arith.constant 1 : i32
    scf.for %while3A_45 = %while3A_35 to %while3A_41 step %while3A_42  : i32 {
      %mul3A_46 = arith.constant 2 : i32
      %mul3A_47 = arith.muli %mul3A_46, %while3A_45 : i32
      %add3A_48 = arith.addi %add3A_6, %mul3A_47 : i32
      %add3A_49 = arith.constant 1 : i32
      %add3A_50 = arith.addi %add3A_48, %add3A_49 : i32
      %dma_start3A_51 = arith.constant 1 : i32
      %dma_start3A_52 = arith.constant 0 : i32
      %dma_start3A_53 = tpu.memref_slice %arg2[%dma_start3A_51, %add3A_50, %dma_start3A_52] : memref<2x2500x128xi32, #tpu.memory_space<hbm>> -> memref<1x1x128xi32, #tpu.memory_space<hbm>>
      %dma_start3A_54 = tpu.memref_squeeze %dma_start3A_53 : memref<1x1x128xi32, #tpu.memory_space<hbm>> -> memref<128xi32, #tpu.memory_space<hbm>>
      %dma_start3A_55 = arith.constant 0 : i32
      %dma_start3A_56 = tpu.memref_slice %arg2[%dma_start3A_51, %add3A_50, %dma_start3A_55] : memref<2x2500x128xi32, #tpu.memory_space<hbm>> -> memref<1x1x128xi32, #tpu.memory_space<hbm>>
      %dma_start3A_57 = tpu.memref_squeeze %dma_start3A_56 : memref<1x1x128xi32, #tpu.memory_space<hbm>> -> memref<128xi32, #tpu.memory_space<hbm>>
      tpu.enqueue_dma source(%dma_start3A_57 : memref<128xi32, #tpu.memory_space<hbm>>) target(%arg7 : memref<128xi32, #tpu.memory_space<vmem>>) target_semaphore(%arg11 : memref<!tpu.dma_semaphore, #tpu.memory_space<semaphore_mem>>)
      %dma_wait3A = arith.constant 1 : i32
      %dma_wait3A_58 = arith.constant 0 : i32
      %dma_wait3A_59 = tpu.memref_slice %arg2[%dma_wait3A, %add3A_48, %dma_wait3A_58] : memref<2x2500x128xi32, #tpu.memory_space<hbm>> -> memref<1x1x128xi32, #tpu.memory_space<hbm>>
      %dma_wait3A_60 = tpu.memref_squeeze %dma_wait3A_59 : memref<1x1x128xi32, #tpu.memory_space<hbm>> -> memref<128xi32, #tpu.memory_space<hbm>>
      %dma_wait3A_61 = arith.constant 0 : i32
      %dma_wait3A_62 = tpu.memref_slice %arg2[%dma_wait3A, %add3A_48, %dma_wait3A_61] : memref<2x2500x128xi32, #tpu.memory_space<hbm>> -> memref<1x1x128xi32, #tpu.memory_space<hbm>>
      %dma_wait3A_63 = tpu.memref_squeeze %dma_wait3A_62 : memref<1x1x128xi32, #tpu.memory_space<hbm>> -> memref<128xi32, #tpu.memory_space<hbm>>
      tpu.wait_dma2 semaphore(%arg10 : memref<!tpu.dma_semaphore, #tpu.memory_space<semaphore_mem>>) src(%dma_wait3A_63 : memref<128xi32, #tpu.memory_space<hbm>>) dst(%arg6 : memref<128xi32, #tpu.memory_space<vmem>>)
      "tpu.region"() ({
        %run_scoped3A = tpu.sem_alloc : memref<!tpu.dma_semaphore, #tpu.memory_space<semaphore_mem>>
        %dma_start3A_78 = arith.constant 0 : i32
        %dma_start3A_79 = arith.constant 0 : i32
        %dma_start3A_80 = tpu.memref_slice %arg9[%dma_start3A_78, %dma_start3A_79] : memref<10240x128xf32, #tpu.memory_space<vmem_shared>> -> memref<10240x128xf32, #tpu.memory_space<vmem_shared>>
        tpu.enqueue_indirect_dma source(%arg8 : memref<128x128xf32, #tpu.memory_space<vmem>>) target(%dma_start3A_80 : memref<10240x128xf32, #tpu.memory_space<vmem_shared>>) offsets(%arg6 : memref<128xi32, #tpu.memory_space<vmem>>) semaphore(%run_scoped3A : memref<!tpu.dma_semaphore, #tpu.memory_space<semaphore_mem>>) {add = true}
        %dma_wait3A_81 = arith.constant 0 : i32
        %dma_wait3A_82 = arith.constant 0 : i32
        %dma_wait3A_83 = tpu.memref_slice %arg9[%dma_wait3A_81, %dma_wait3A_82] : memref<10240x128xf32, #tpu.memory_space<vmem_shared>> -> memref<10240x128xf32, #tpu.memory_space<vmem_shared>>
        tpu.wait_indirect_dma semaphore(%run_scoped3A : memref<!tpu.dma_semaphore, #tpu.memory_space<semaphore_mem>>) src(%arg8 : memref<128x128xf32, #tpu.memory_space<vmem>>) dst(%dma_wait3A_83 : memref<10240x128xf32, #tpu.memory_space<vmem_shared>>)
        tpu.yield
      }) : () -> ()
      %add3A_64 = arith.constant 2 : i32
      %add3A_65 = arith.addi %add3A_48, %add3A_64 : i32
      %add3A_66 = arith.addi %add3A_6, %select_n3A : i32
      %lt3A_67 = arith.cmpi slt, %add3A_65, %add3A_66 : i32
      %convert_element_type3A = arith.extui %lt3A_67 : i1 to i32
      %cond3A = arith.constant 0 : i32
      %cond3A_68 = arith.cmpi ne, %convert_element_type3A, %cond3A : i32
      scf.if %cond3A_68 {
        %add3A_78 = arith.constant 2 : i32
        %add3A_79 = arith.addi %add3A_48, %add3A_78 : i32
        %dma_start3A_80 = arith.constant 1 : i32
        %dma_start3A_81 = arith.constant 0 : i32
        %dma_start3A_82 = tpu.memref_slice %arg2[%dma_start3A_80, %add3A_79, %dma_start3A_81] : memref<2x2500x128xi32, #tpu.memory_space<hbm>> -> memref<1x1x128xi32, #tpu.memory_space<hbm>>
        %dma_start3A_83 = tpu.memref_squeeze %dma_start3A_82 : memref<1x1x128xi32, #tpu.memory_space<hbm>> -> memref<128xi32, #tpu.memory_space<hbm>>
        %dma_start3A_84 = arith.constant 0 : i32
        %dma_start3A_85 = tpu.memref_slice %arg2[%dma_start3A_80, %add3A_79, %dma_start3A_84] : memref<2x2500x128xi32, #tpu.memory_space<hbm>> -> memref<1x1x128xi32, #tpu.memory_space<hbm>>
        %dma_start3A_86 = tpu.memref_squeeze %dma_start3A_85 : memref<1x1x128xi32, #tpu.memory_space<hbm>> -> memref<128xi32, #tpu.memory_space<hbm>>
        tpu.enqueue_dma source(%dma_start3A_86 : memref<128xi32, #tpu.memory_space<hbm>>) target(%arg6 : memref<128xi32, #tpu.memory_space<vmem>>) target_semaphore(%arg10 : memref<!tpu.dma_semaphore, #tpu.memory_space<semaphore_mem>>)
      } else {
      }
      %add3A_69 = arith.constant 1 : i32
      %add3A_70 = arith.addi %add3A_48, %add3A_69 : i32
      %dma_wait3A_71 = arith.constant 1 : i32
      %dma_wait3A_72 = arith.constant 0 : i32
      %dma_wait3A_73 = tpu.memref_slice %arg2[%dma_wait3A_71, %add3A_70, %dma_wait3A_72] : memref<2x2500x128xi32, #tpu.memory_space<hbm>> -> memref<1x1x128xi32, #tpu.memory_space<hbm>>
      %dma_wait3A_74 = tpu.memref_squeeze %dma_wait3A_73 : memref<1x1x128xi32, #tpu.memory_space<hbm>> -> memref<128xi32, #tpu.memory_space<hbm>>
      %dma_wait3A_75 = arith.constant 0 : i32
      %dma_wait3A_76 = tpu.memref_slice %arg2[%dma_wait3A_71, %add3A_70, %dma_wait3A_75] : memref<2x2500x128xi32, #tpu.memory_space<hbm>> -> memref<1x1x128xi32, #tpu.memory_space<hbm>>
      %dma_wait3A_77 = tpu.memref_squeeze %dma_wait3A_76 : memref<1x1x128xi32, #tpu.memory_space<hbm>> -> memref<128xi32, #tpu.memory_space<hbm>>
      tpu.wait_dma2 semaphore(%arg11 : memref<!tpu.dma_semaphore, #tpu.memory_space<semaphore_mem>>) src(%dma_wait3A_77 : memref<128xi32, #tpu.memory_space<hbm>>) dst(%arg7 : memref<128xi32, #tpu.memory_space<vmem>>)
      "tpu.region"() ({
        %run_scoped3A = tpu.sem_alloc : memref<!tpu.dma_semaphore, #tpu.memory_space<semaphore_mem>>
        %dma_start3A_78 = arith.constant 0 : i32
        %dma_start3A_79 = arith.constant 0 : i32
        %dma_start3A_80 = tpu.memref_slice %arg9[%dma_start3A_78, %dma_start3A_79] : memref<10240x128xf32, #tpu.memory_space<vmem_shared>> -> memref<10240x128xf32, #tpu.memory_space<vmem_shared>>
        tpu.enqueue_indirect_dma source(%arg8 : memref<128x128xf32, #tpu.memory_space<vmem>>) target(%dma_start3A_80 : memref<10240x128xf32, #tpu.memory_space<vmem_shared>>) offsets(%arg7 : memref<128xi32, #tpu.memory_space<vmem>>) semaphore(%run_scoped3A : memref<!tpu.dma_semaphore, #tpu.memory_space<semaphore_mem>>) {add = true}
        %dma_wait3A_81 = arith.constant 0 : i32
        %dma_wait3A_82 = arith.constant 0 : i32
        %dma_wait3A_83 = tpu.memref_slice %arg9[%dma_wait3A_81, %dma_wait3A_82] : memref<10240x128xf32, #tpu.memory_space<vmem_shared>> -> memref<10240x128xf32, #tpu.memory_space<vmem_shared>>
        tpu.wait_indirect_dma semaphore(%run_scoped3A : memref<!tpu.dma_semaphore, #tpu.memory_space<semaphore_mem>>) src(%arg8 : memref<128x128xf32, #tpu.memory_space<vmem>>) dst(%dma_wait3A_83 : memref<10240x128xf32, #tpu.memory_space<vmem_shared>>)
        tpu.yield
      }) : () -> ()
    }
    %while3A_43 = arith.constant 1 : i32
    scf.for %while3A_45 = %while3A_41 to %while3A_37 step %while3A_43  : i32 {
      %mul3A_46 = arith.constant 2 : i32
      %mul3A_47 = arith.muli %mul3A_46, %while3A_45 : i32
      %add3A_48 = arith.addi %add3A_6, %mul3A_47 : i32
      %add3A_49 = arith.constant 1 : i32
      %add3A_50 = arith.addi %add3A_48, %add3A_49 : i32
      %dma_start3A_51 = arith.constant 1 : i32
      %dma_start3A_52 = arith.constant 0 : i32
      %dma_start3A_53 = tpu.memref_slice %arg2[%dma_start3A_51, %add3A_50, %dma_start3A_52] : memref<2x2500x128xi32, #tpu.memory_space<hbm>> -> memref<1x1x128xi32, #tpu.memory_space<hbm>>
      %dma_start3A_54 = tpu.memref_squeeze %dma_start3A_53 : memref<1x1x128xi32, #tpu.memory_space<hbm>> -> memref<128xi32, #tpu.memory_space<hbm>>
      %dma_start3A_55 = arith.constant 0 : i32
      %dma_start3A_56 = tpu.memref_slice %arg2[%dma_start3A_51, %add3A_50, %dma_start3A_55] : memref<2x2500x128xi32, #tpu.memory_space<hbm>> -> memref<1x1x128xi32, #tpu.memory_space<hbm>>
      %dma_start3A_57 = tpu.memref_squeeze %dma_start3A_56 : memref<1x1x128xi32, #tpu.memory_space<hbm>> -> memref<128xi32, #tpu.memory_space<hbm>>
      tpu.enqueue_dma source(%dma_start3A_57 : memref<128xi32, #tpu.memory_space<hbm>>) target(%arg7 : memref<128xi32, #tpu.memory_space<vmem>>) target_semaphore(%arg11 : memref<!tpu.dma_semaphore, #tpu.memory_space<semaphore_mem>>)
      %dma_wait3A = arith.constant 1 : i32
      %dma_wait3A_58 = arith.constant 0 : i32
      %dma_wait3A_59 = tpu.memref_slice %arg2[%dma_wait3A, %add3A_48, %dma_wait3A_58] : memref<2x2500x128xi32, #tpu.memory_space<hbm>> -> memref<1x1x128xi32, #tpu.memory_space<hbm>>
      %dma_wait3A_60 = tpu.memref_squeeze %dma_wait3A_59 : memref<1x1x128xi32, #tpu.memory_space<hbm>> -> memref<128xi32, #tpu.memory_space<hbm>>
      %dma_wait3A_61 = arith.constant 0 : i32
      %dma_wait3A_62 = tpu.memref_slice %arg2[%dma_wait3A, %add3A_48, %dma_wait3A_61] : memref<2x2500x128xi32, #tpu.memory_space<hbm>> -> memref<1x1x128xi32, #tpu.memory_space<hbm>>
      %dma_wait3A_63 = tpu.memref_squeeze %dma_wait3A_62 : memref<1x1x128xi32, #tpu.memory_space<hbm>> -> memref<128xi32, #tpu.memory_space<hbm>>
      tpu.wait_dma2 semaphore(%arg10 : memref<!tpu.dma_semaphore, #tpu.memory_space<semaphore_mem>>) src(%dma_wait3A_63 : memref<128xi32, #tpu.memory_space<hbm>>) dst(%arg6 : memref<128xi32, #tpu.memory_space<vmem>>)
      "tpu.region"() ({
        %run_scoped3A = tpu.sem_alloc : memref<!tpu.dma_semaphore, #tpu.memory_space<semaphore_mem>>
        %dma_start3A_78 = arith.constant 0 : i32
        %dma_start3A_79 = arith.constant 0 : i32
        %dma_start3A_80 = tpu.memref_slice %arg9[%dma_start3A_78, %dma_start3A_79] : memref<10240x128xf32, #tpu.memory_space<vmem_shared>> -> memref<10240x128xf32, #tpu.memory_space<vmem_shared>>
        tpu.enqueue_indirect_dma source(%arg8 : memref<128x128xf32, #tpu.memory_space<vmem>>) target(%dma_start3A_80 : memref<10240x128xf32, #tpu.memory_space<vmem_shared>>) offsets(%arg6 : memref<128xi32, #tpu.memory_space<vmem>>) semaphore(%run_scoped3A : memref<!tpu.dma_semaphore, #tpu.memory_space<semaphore_mem>>) {add = true}
        %dma_wait3A_81 = arith.constant 0 : i32
        %dma_wait3A_82 = arith.constant 0 : i32
        %dma_wait3A_83 = tpu.memref_slice %arg9[%dma_wait3A_81, %dma_wait3A_82] : memref<10240x128xf32, #tpu.memory_space<vmem_shared>> -> memref<10240x128xf32, #tpu.memory_space<vmem_shared>>
        tpu.wait_indirect_dma semaphore(%run_scoped3A : memref<!tpu.dma_semaphore, #tpu.memory_space<semaphore_mem>>) src(%arg8 : memref<128x128xf32, #tpu.memory_space<vmem>>) dst(%dma_wait3A_83 : memref<10240x128xf32, #tpu.memory_space<vmem_shared>>)
        tpu.yield
      }) : () -> ()
      %add3A_64 = arith.constant 2 : i32
      %add3A_65 = arith.addi %add3A_48, %add3A_64 : i32
      %add3A_66 = arith.addi %add3A_6, %select_n3A : i32
      %lt3A_67 = arith.cmpi slt, %add3A_65, %add3A_66 : i32
      %convert_element_type3A = arith.extui %lt3A_67 : i1 to i32
      %cond3A = arith.constant 0 : i32
      %cond3A_68 = arith.cmpi ne, %convert_element_type3A, %cond3A : i32
      scf.if %cond3A_68 {
        %add3A_78 = arith.constant 2 : i32
        %add3A_79 = arith.addi %add3A_48, %add3A_78 : i32
        %dma_start3A_80 = arith.constant 1 : i32
        %dma_start3A_81 = arith.constant 0 : i32
        %dma_start3A_82 = tpu.memref_slice %arg2[%dma_start3A_80, %add3A_79, %dma_start3A_81] : memref<2x2500x128xi32, #tpu.memory_space<hbm>> -> memref<1x1x128xi32, #tpu.memory_space<hbm>>
        %dma_start3A_83 = tpu.memref_squeeze %dma_start3A_82 : memref<1x1x128xi32, #tpu.memory_space<hbm>> -> memref<128xi32, #tpu.memory_space<hbm>>
        %dma_start3A_84 = arith.constant 0 : i32
        %dma_start3A_85 = tpu.memref_slice %arg2[%dma_start3A_80, %add3A_79, %dma_start3A_84] : memref<2x2500x128xi32, #tpu.memory_space<hbm>> -> memref<1x1x128xi32, #tpu.memory_space<hbm>>
        %dma_start3A_86 = tpu.memref_squeeze %dma_start3A_85 : memref<1x1x128xi32, #tpu.memory_space<hbm>> -> memref<128xi32, #tpu.memory_space<hbm>>
        tpu.enqueue_dma source(%dma_start3A_86 : memref<128xi32, #tpu.memory_space<hbm>>) target(%arg6 : memref<128xi32, #tpu.memory_space<vmem>>) target_semaphore(%arg10 : memref<!tpu.dma_semaphore, #tpu.memory_space<semaphore_mem>>)
      } else {
      }
      %add3A_69 = arith.constant 1 : i32
      %add3A_70 = arith.addi %add3A_48, %add3A_69 : i32
      %dma_wait3A_71 = arith.constant 1 : i32
      %dma_wait3A_72 = arith.constant 0 : i32
      %dma_wait3A_73 = tpu.memref_slice %arg2[%dma_wait3A_71, %add3A_70, %dma_wait3A_72] : memref<2x2500x128xi32, #tpu.memory_space<hbm>> -> memref<1x1x128xi32, #tpu.memory_space<hbm>>
      %dma_wait3A_74 = tpu.memref_squeeze %dma_wait3A_73 : memref<1x1x128xi32, #tpu.memory_space<hbm>> -> memref<128xi32, #tpu.memory_space<hbm>>
      %dma_wait3A_75 = arith.constant 0 : i32
      %dma_wait3A_76 = tpu.memref_slice %arg2[%dma_wait3A_71, %add3A_70, %dma_wait3A_75] : memref<2x2500x128xi32, #tpu.memory_space<hbm>> -> memref<1x1x128xi32, #tpu.memory_space<hbm>>
      %dma_wait3A_77 = tpu.memref_squeeze %dma_wait3A_76 : memref<1x1x128xi32, #tpu.memory_space<hbm>> -> memref<128xi32, #tpu.memory_space<hbm>>
      tpu.wait_dma2 semaphore(%arg11 : memref<!tpu.dma_semaphore, #tpu.memory_space<semaphore_mem>>) src(%dma_wait3A_77 : memref<128xi32, #tpu.memory_space<hbm>>) dst(%arg7 : memref<128xi32, #tpu.memory_space<vmem>>)
      "tpu.region"() ({
        %run_scoped3A = tpu.sem_alloc : memref<!tpu.dma_semaphore, #tpu.memory_space<semaphore_mem>>
        %dma_start3A_78 = arith.constant 0 : i32
        %dma_start3A_79 = arith.constant 0 : i32
        %dma_start3A_80 = tpu.memref_slice %arg9[%dma_start3A_78, %dma_start3A_79] : memref<10240x128xf32, #tpu.memory_space<vmem_shared>> -> memref<10240x128xf32, #tpu.memory_space<vmem_shared>>
        tpu.enqueue_indirect_dma source(%arg8 : memref<128x128xf32, #tpu.memory_space<vmem>>) target(%dma_start3A_80 : memref<10240x128xf32, #tpu.memory_space<vmem_shared>>) offsets(%arg7 : memref<128xi32, #tpu.memory_space<vmem>>) semaphore(%run_scoped3A : memref<!tpu.dma_semaphore, #tpu.memory_space<semaphore_mem>>) {add = true}
        %dma_wait3A_81 = arith.constant 0 : i32
        %dma_wait3A_82 = arith.constant 0 : i32
        %dma_wait3A_83 = tpu.memref_slice %arg9[%dma_wait3A_81, %dma_wait3A_82] : memref<10240x128xf32, #tpu.memory_space<vmem_shared>> -> memref<10240x128xf32, #tpu.memory_space<vmem_shared>>
        tpu.wait_indirect_dma semaphore(%run_scoped3A : memref<!tpu.dma_semaphore, #tpu.memory_space<semaphore_mem>>) src(%arg8 : memref<128x128xf32, #tpu.memory_space<vmem>>) dst(%dma_wait3A_83 : memref<10240x128xf32, #tpu.memory_space<vmem_shared>>)
        tpu.yield
      }) : () -> ()
    }
    %barrier3A_44 = arith.constant 0 : index
    tpu.barrier barrier_id(%barrier3A_44)
    "tpu.region"() ({
      %run_scoped3A = tpu.sem_alloc : memref<!tpu.dma_semaphore, #tpu.memory_space<semaphore_mem>>
      %dma_start3A_45 = arith.constant 0 : i32
      %dma_start3A_46 = tpu.memref_slice %arg5[%arg0, %mul3A_10, %dma_start3A_45] : memref<2x10240x128xf32, #tpu.memory_space<hbm>> -> memref<1x640x128xf32, #tpu.memory_space<hbm>>
      %dma_start3A_47 = tpu.memref_squeeze %dma_start3A_46 : memref<1x640x128xf32, #tpu.memory_space<hbm>> -> memref<640x128xf32, #tpu.memory_space<hbm>>
      %dma_start3A_48 = arith.constant 0 : i32
      %dma_start3A_49 = tpu.memref_slice %arg9[%mul3A_10, %dma_start3A_48] : memref<10240x128xf32, #tpu.memory_space<vmem_shared>> -> memref<640x128xf32, #tpu.memory_space<vmem_shared>>
      tpu.enqueue_dma source(%dma_start3A_49 : memref<640x128xf32, #tpu.memory_space<vmem_shared>>) target(%dma_start3A_47 : memref<640x128xf32, #tpu.memory_space<hbm>>) target_semaphore(%run_scoped3A : memref<!tpu.dma_semaphore, #tpu.memory_space<semaphore_mem>>)
      %dma_wait3A = arith.constant 0 : i32
      %dma_wait3A_50 = tpu.memref_slice %arg5[%arg0, %mul3A_10, %dma_wait3A] : memref<2x10240x128xf32, #tpu.memory_space<hbm>> -> memref<1x640x128xf32, #tpu.memory_space<hbm>>
      %dma_wait3A_51 = tpu.memref_squeeze %dma_wait3A_50 : memref<1x640x128xf32, #tpu.memory_space<hbm>> -> memref<640x128xf32, #tpu.memory_space<hbm>>
      %dma_wait3A_52 = arith.constant 0 : i32
      %dma_wait3A_53 = tpu.memref_slice %arg9[%mul3A_10, %dma_wait3A_52] : memref<10240x128xf32, #tpu.memory_space<vmem_shared>> -> memref<640x128xf32, #tpu.memory_space<vmem_shared>>
      tpu.wait_dma2 semaphore(%run_scoped3A : memref<!tpu.dma_semaphore, #tpu.memory_space<semaphore_mem>>) src(%dma_wait3A_53 : memref<640x128xf32, #tpu.memory_space<vmem_shared>>) dst(%dma_wait3A_51 : memref<640x128xf32, #tpu.memory_space<hbm>>)
      tpu.yield
    }) : () -> ()
    return
  }
}

module attributes {stable_mosaic.version = 14 : i64} {
  func.func @_k1a_body(%arg0: i32, %arg1: memref<512x128xf32, #tpu.memory_space<vmem>>, %arg2: memref<128x128xf32, #tpu.memory_space<vmem>>, %arg3: memref<512x128xf32, #tpu.memory_space<vmem>>) attributes {dimension_semantics = [#tpu.dimension_semantics<arbitrary>], iteration_bounds = array<i64: 20>, scalar_prefetch = 0 : i64, scratch_operands = 0 : i64, tpu.core_type = #tpu.core_type<tc>, window_params = [{transform_indices = @transform_0, window_bounds = array<i64: 512, 128>}, {pipeline_mode = #tpu.pipeline_mode<synchronous>, transform_indices = @transform_1, window_bounds = array<i64: 128, 128>}, {transform_indices = @transform_2, window_bounds = array<i64: 512, 128>}]} {
    %get3A = arith.constant 0 : index
    %get3A_0 = arith.constant 0 : index
    %get3A_1 = vector.load %arg1[%get3A, %get3A_0] : memref<512x128xf32, #tpu.memory_space<vmem>>, vector<512x128xf32>
    %get3A_2 = arith.constant 0 : index
    %get3A_3 = arith.constant 0 : index
    %get3A_4 = vector.load %arg2[%get3A_2, %get3A_3] : memref<128x128xf32, #tpu.memory_space<vmem>>, vector<128x128xf32>
    %dot_general3A = arith.constant dense<0.000000e+00> : vector<512x128xf32>
    %dot_general3A_5 = tpu.matmul %get3A_1, %get3A_4, %dot_general3A {dimension_numbers = #tpu.dot_dimension_numbers<[1], [0], [0], [1], [0, 0, 1, 1], [], []>, transpose_lhs_hint = false} : vector<512x128xf32>, vector<128x128xf32>, vector<512x128xf32> -> vector<512x128xf32>
    %swap3A = arith.constant 0 : index
    %swap3A_6 = arith.constant 0 : index
    %swap3A_7 = vector.load %arg3[%swap3A, %swap3A_6] : memref<512x128xf32, #tpu.memory_space<vmem>>, vector<512x128xf32>
    tpu.vector_store %arg3[%swap3A, %swap3A_6], %dot_general3A_5 {strides = array<i32>} : memref<512x128xf32, #tpu.memory_space<vmem>>, vector<512x128xf32>,
    return
  }
  func.func @transform_0(%arg0: i32) -> (i32, i32) {
    %c0_i32 = arith.constant 0 : i32
    %c0_i32_0 = arith.constant 0 : i32
    return %arg0, %c0_i32 : i32, i32
  }
  func.func @transform_1(%arg0: i32) -> (i32, i32) {
    %c0_i32 = arith.constant 0 : i32
    %c0_i32_0 = arith.constant 0 : i32
    %c0_i32_1 = arith.constant 0 : i32
    return %c0_i32, %c0_i32_0 : i32, i32
  }
  func.func @transform_2(%arg0: i32) -> (i32, i32) {
    %c0_i32 = arith.constant 0 : i32
    %c0_i32_0 = arith.constant 0 : i32
    return %arg0, %c0_i32 : i32, i32
  }
}

module attributes {stable_mosaic.version = 14 : i64} {
  func.func @_k1b_body(%arg0: i32, %arg1: memref<512x128xf32, #tpu.memory_space<vmem>>, %arg2: memref<2x512x128xf32, #tpu.memory_space<vmem>>, %arg3: memref<512x128xf32, #tpu.memory_space<vmem>>) attributes {dimension_semantics = [#tpu.dimension_semantics<arbitrary>], iteration_bounds = array<i64: 20>, scalar_prefetch = 0 : i64, scratch_operands = 0 : i64, tpu.core_type = #tpu.core_type<tc>, window_params = [{transform_indices = @transform_0, window_bounds = array<i64: 512, 128>}, {transform_indices = @transform_1, window_bounds = array<i64: 2, 512, 128>}, {transform_indices = @transform_2, window_bounds = array<i64: 512, 128>}]} {
    %get3A = arith.constant 0 : index
    %get3A_0 = arith.constant 0 : index
    %get3A_1 = arith.constant 0 : index
    %get3A_2 = vector.load %arg2[%get3A, %get3A_0, %get3A_1] : memref<2x512x128xf32, #tpu.memory_space<vmem>>, vector<2x512x128xf32>
    %slice3A = vector.extract_strided_slice %get3A_2 {offsets = [0, 0, 0], sizes = [1, 512, 1], strides = [1, 1, 1]} : vector<2x512x128xf32> to vector<1x512x1xf32>
    %squeeze3A = vector.shape_cast %slice3A : vector<1x512x1xf32> to vector<512x1xf32>
    %slice3A_3 = vector.extract_strided_slice %get3A_2 {offsets = [1, 0, 0], sizes = [1, 512, 1], strides = [1, 1, 1]} : vector<2x512x128xf32> to vector<1x512x1xf32>
    %squeeze3A_4 = vector.shape_cast %slice3A_3 : vector<1x512x1xf32> to vector<512x1xf32>
    %add3A = arith.addf %squeeze3A, %squeeze3A_4 : vector<512x1xf32>
    %add3A_5 = arith.constant 1.000000e+00 : f32
    %add3A_6 = vector.broadcast %add3A_5 : f32 to vector<512x1xf32>
    %add3A_7 = arith.addf %add3A, %add3A_6 : vector<512x1xf32>
    %rsqrt3A = math.rsqrt %add3A_7 : vector<512x1xf32>
    %get3A_8 = arith.constant 0 : index
    %get3A_9 = arith.constant 0 : index
    %get3A_10 = vector.load %arg1[%get3A_8, %get3A_9] : memref<512x128xf32, #tpu.memory_space<vmem>>, vector<512x128xf32>
    %mul3A = vector.broadcast %rsqrt3A : vector<512x1xf32> to vector<512x128xf32>
    %mul3A_11 = arith.mulf %mul3A, %get3A_10 : vector<512x128xf32>
    %swap3A = arith.constant 0 : index
    %swap3A_12 = arith.constant 0 : index
    %swap3A_13 = vector.load %arg3[%swap3A, %swap3A_12] : memref<512x128xf32, #tpu.memory_space<vmem>>, vector<512x128xf32>
    tpu.vector_store %arg3[%swap3A, %swap3A_12], %mul3A_11 {strides = array<i32>} : memref<512x128xf32, #tpu.memory_space<vmem>>, vector<512x128xf32>,
    return
  }
  func.func @transform_0(%arg0: i32) -> (i32, i32) {
    %c0_i32 = arith.constant 0 : i32
    %c0_i32_0 = arith.constant 0 : i32
    return %arg0, %c0_i32 : i32, i32
  }
  func.func @transform_1(%arg0: i32) -> (i32, i32, i32) {
    %c0_i32 = arith.constant 0 : i32
    %c0_i32_0 = arith.constant 0 : i32
    %c0_i32_1 = arith.constant 0 : i32
    return %c0_i32, %arg0, %c0_i32_0 : i32, i32, i32
  }
  func.func @transform_2(%arg0: i32) -> (i32, i32) {
    %c0_i32 = arith.constant 0 : i32
    %c0_i32_0 = arith.constant 0 : i32
    return %arg0, %c0_i32 : i32, i32
  }
}

module attributes {stable_mosaic.version = 14 : i64} {
  func.func @_k2_body(%arg0: i32, %arg1: memref<2x512x128xf32, #tpu.memory_space<vmem>>, %arg2: memref<512x128xf32, #tpu.memory_space<vmem>>, %arg3: memref<2x512x128xf32, #tpu.memory_space<vmem>>, %arg4: memref<1x128xf32, #tpu.memory_space<vmem>>, %arg5: memref<128x128xf32, #tpu.memory_space<vmem>>, %arg6: memref<512x128xf32, #tpu.memory_space<vmem>>) attributes {dimension_semantics = [#tpu.dimension_semantics<arbitrary>], iteration_bounds = array<i64: 20>, scalar_prefetch = 0 : i64, scratch_operands = 0 : i64, tpu.core_type = #tpu.core_type<tc>, window_params = [{transform_indices = @transform_0, window_bounds = array<i64: 2, 512, 128>}, {transform_indices = @transform_1, window_bounds = array<i64: 512, 128>}, {transform_indices = @transform_2, window_bounds = array<i64: 2, 512, 128>}, {pipeline_mode = #tpu.pipeline_mode<synchronous>, transform_indices = @transform_3, window_bounds = array<i64: 1, 128>}, {pipeline_mode = #tpu.pipeline_mode<synchronous>, transform_indices = @transform_4, window_bounds = array<i64: 128, 128>}, {transform_indices = @transform_5, window_bounds = array<i64: 512, 128>}]} {
    %get3A = arith.constant 0 : index
    %get3A_0 = arith.constant 0 : index
    %get3A_1 = arith.constant 0 : index
    %get3A_2 = vector.load %arg3[%get3A, %get3A_0, %get3A_1] : memref<2x512x128xf32, #tpu.memory_space<vmem>>, vector<2x512x128xf32>
    %slice3A = vector.extract_strided_slice %get3A_2 {offsets = [0, 0, 0], sizes = [1, 512, 1], strides = [1, 1, 1]} : vector<2x512x128xf32> to vector<1x512x1xf32>
    %squeeze3A = vector.shape_cast %slice3A : vector<1x512x1xf32> to vector<512x1xf32>
    %slice3A_3 = vector.extract_strided_slice %get3A_2 {offsets = [1, 0, 0], sizes = [1, 512, 1], strides = [1, 1, 1]} : vector<2x512x128xf32> to vector<1x512x1xf32>
    %squeeze3A_4 = vector.shape_cast %slice3A_3 : vector<1x512x1xf32> to vector<512x1xf32>
    %add3A = arith.addf %squeeze3A, %squeeze3A_4 : vector<512x1xf32>
    %add3A_5 = arith.constant 1.000000e+00 : f32
    %add3A_6 = vector.broadcast %add3A_5 : f32 to vector<512x1xf32>
    %add3A_7 = arith.addf %add3A, %add3A_6 : vector<512x1xf32>
    %rsqrt3A = math.rsqrt %add3A_7 : vector<512x1xf32>
    %get3A_8 = arith.constant 0 : index
    %get3A_9 = arith.constant 0 : index
    %get3A_10 = arith.constant 0 : index
    %get3A_11 = vector.load %arg1[%get3A_8, %get3A_9, %get3A_10] : memref<2x512x128xf32, #tpu.memory_space<vmem>>, vector<2x512x128xf32>
    %slice3A_12 = vector.extract_strided_slice %get3A_11 {offsets = [0, 0, 0], sizes = [1, 512, 128], strides = [1, 1, 1]} : vector<2x512x128xf32> to vector<1x512x128xf32>
    %squeeze3A_13 = vector.shape_cast %slice3A_12 : vector<1x512x128xf32> to vector<512x128xf32>
    %slice3A_14 = vector.extract_strided_slice %get3A_11 {offsets = [1, 0, 0], sizes = [1, 512, 128], strides = [1, 1, 1]} : vector<2x512x128xf32> to vector<1x512x128xf32>
    %squeeze3A_15 = vector.shape_cast %slice3A_14 : vector<1x512x128xf32> to vector<512x128xf32>
    %add3A_16 = arith.addf %squeeze3A_13, %squeeze3A_15 : vector<512x128xf32>
    %get3A_17 = arith.constant 0 : index
    %get3A_18 = arith.constant 0 : index
    %get3A_19 = vector.load %arg2[%get3A_17, %get3A_18] : memref<512x128xf32, #tpu.memory_space<vmem>>, vector<512x128xf32>
    %add3A_20 = arith.addf %add3A_16, %get3A_19 : vector<512x128xf32>
    %mul3A = vector.broadcast %rsqrt3A : vector<512x1xf32> to vector<512x128xf32>
    %mul3A_21 = arith.mulf %mul3A, %add3A_20 : vector<512x128xf32>
    %get3A_22 = arith.constant 0 : index
    %get3A_23 = arith.constant 0 : index
    %get3A_24 = vector.load %arg4[%get3A_22, %get3A_23] : memref<1x128xf32, #tpu.memory_space<vmem>>, vector<1x128xf32>
    %add3A_25 = vector.broadcast %get3A_24 : vector<1x128xf32> to vector<512x128xf32>
    %add3A_26 = arith.addf %mul3A_21, %add3A_25 : vector<512x128xf32>
    %max3A = arith.constant 0.000000e+00 : f32
    %max3A_27 = vector.broadcast %max3A : f32 to vector<512x128xf32>
    %max3A_28 = arith.maximumf %add3A_26, %max3A_27 : vector<512x128xf32>
    %mul3A_29 = arith.constant 512 : i32
    %mul3A_30 = arith.muli %arg0, %mul3A_29 : i32
    %iota3A = tpu.iota {dimensions = array<i32: 0>} : vector<512x1xi32>
    %add3A_31 = vector.broadcast %mul3A_30 : i32 to vector<512x1xi32>
    %add3A_32 = arith.addi %add3A_31, %iota3A : vector<512x1xi32>
    %lt3A = arith.constant 10000 : i32
    %lt3A_33 = vector.broadcast %lt3A : i32 to vector<512x1xi32>
    %lt3A_34 = arith.cmpi slt, %add3A_32, %lt3A_33 : vector<512x1xi32>
    %jit3A = arith.constant 0.000000e+00 : f32
    %broadcast_in_dim3A = vector.shape_cast %lt3A_34 : vector<512x1xi1> to vector<512x1xi1>
    %broadcast_in_dim3A_35 = vector.broadcast %broadcast_in_dim3A : vector<512x1xi1> to vector<512x128xi1>
    %broadcast_in_dim3A_36 = vector.broadcast %jit3A : f32 to vector<512x128xf32>
    %select_n3A = arith.select %broadcast_in_dim3A_35, %max3A_28, %broadcast_in_dim3A_36 : vector<512x128xi1>, vector<512x128xf32>
    %get3A_37 = arith.constant 0 : index
    %get3A_38 = arith.constant 0 : index
    %get3A_39 = vector.load %arg5[%get3A_37, %get3A_38] : memref<128x128xf32, #tpu.memory_space<vmem>>, vector<128x128xf32>
    %dot_general3A = arith.constant dense<0.000000e+00> : vector<512x128xf32>
    %dot_general3A_40 = tpu.matmul %select_n3A, %get3A_39, %dot_general3A {dimension_numbers = #tpu.dot_dimension_numbers<[1], [0], [0], [1], [0, 0, 1, 1], [], []>, transpose_lhs_hint = false} : vector<512x128xf32>, vector<128x128xf32>, vector<512x128xf32> -> vector<512x128xf32>
    %mul3A_41 = vector.broadcast %rsqrt3A : vector<512x1xf32> to vector<512x128xf32>
    %mul3A_42 = arith.mulf %mul3A_41, %dot_general3A_40 : vector<512x128xf32>
    %swap3A = arith.constant 0 : index
    %swap3A_43 = arith.constant 0 : index
    %swap3A_44 = vector.load %arg6[%swap3A, %swap3A_43] : memref<512x128xf32, #tpu.memory_space<vmem>>, vector<512x128xf32>
    tpu.vector_store %arg6[%swap3A, %swap3A_43], %mul3A_42 {strides = array<i32>} : memref<512x128xf32, #tpu.memory_space<vmem>>, vector<512x128xf32>,
    return
  }
  func.func @transform_0(%arg0: i32) -> (i32, i32, i32) {
    %c0_i32 = arith.constant 0 : i32
    %c0_i32_0 = arith.constant 0 : i32
    %c0_i32_1 = arith.constant 0 : i32
    return %c0_i32, %arg0, %c0_i32_0 : i32, i32, i32
  }
  func.func @transform_1(%arg0: i32) -> (i32, i32) {
    %c0_i32 = arith.constant 0 : i32
    %c0_i32_0 = arith.constant 0 : i32
    return %arg0, %c0_i32 : i32, i32
  }
  func.func @transform_2(%arg0: i32) -> (i32, i32, i32) {
    %c0_i32 = arith.constant 0 : i32
    %c0_i32_0 = arith.constant 0 : i32
    %c0_i32_1 = arith.constant 0 : i32
    return %c0_i32, %arg0, %c0_i32_0 : i32, i32, i32
  }
  func.func @transform_3(%arg0: i32) -> (i32, i32) {
    %c0_i32 = arith.constant 0 : i32
    %c0_i32_0 = arith.constant 0 : i32
    %c0_i32_1 = arith.constant 0 : i32
    return %c0_i32, %c0_i32_0 : i32, i32
  }
  func.func @transform_4(%arg0: i32) -> (i32, i32) {
    %c0_i32 = arith.constant 0 : i32
    %c0_i32_0 = arith.constant 0 : i32
    %c0_i32_1 = arith.constant 0 : i32
    return %c0_i32, %c0_i32_0 : i32, i32
  }
  func.func @transform_5(%arg0: i32) -> (i32, i32) {
    %c0_i32 = arith.constant 0 : i32
    %c0_i32_0 = arith.constant 0 : i32
    return %arg0, %c0_i32 : i32, i32
  }
}

module attributes {stable_mosaic.version = 14 : i64} {
  func.func @_k3_body(%arg0: i32, %arg1: memref<2x512x128xf32, #tpu.memory_space<vmem>>, %arg2: memref<512x128xf32, #tpu.memory_space<vmem>>, %arg3: memref<2x512x128xf32, #tpu.memory_space<vmem>>, %arg4: memref<1x128xf32, #tpu.memory_space<vmem>>, %arg5: memref<1x128xf32, #tpu.memory_space<vmem>>, %arg6: memref<1x1xf32, #tpu.memory_space<vmem>>, %arg7: memref<512x1xf32, #tpu.memory_space<vmem>>) attributes {dimension_semantics = [#tpu.dimension_semantics<arbitrary>], iteration_bounds = array<i64: 20>, scalar_prefetch = 0 : i64, scratch_operands = 0 : i64, tpu.core_type = #tpu.core_type<tc>, window_params = [{transform_indices = @transform_0, window_bounds = array<i64: 2, 512, 128>}, {transform_indices = @transform_1, window_bounds = array<i64: 512, 128>}, {transform_indices = @transform_2, window_bounds = array<i64: 2, 512, 128>}, {pipeline_mode = #tpu.pipeline_mode<synchronous>, transform_indices = @transform_3, window_bounds = array<i64: 1, 128>}, {pipeline_mode = #tpu.pipeline_mode<synchronous>, transform_indices = @transform_4, window_bounds = array<i64: 1, 128>}, {pipeline_mode = #tpu.pipeline_mode<synchronous>, transform_indices = @transform_5, window_bounds = array<i64: 1, 1>}, {transform_indices = @transform_6, window_bounds = array<i64: 512, 1>}]} {
    %get3A = arith.constant 0 : index
    %get3A_0 = arith.constant 0 : index
    %get3A_1 = arith.constant 0 : index
    %get3A_2 = vector.load %arg3[%get3A, %get3A_0, %get3A_1] : memref<2x512x128xf32, #tpu.memory_space<vmem>>, vector<2x512x128xf32>
    %slice3A = vector.extract_strided_slice %get3A_2 {offsets = [0, 0, 0], sizes = [1, 512, 1], strides = [1, 1, 1]} : vector<2x512x128xf32> to vector<1x512x1xf32>
    %squeeze3A = vector.shape_cast %slice3A : vector<1x512x1xf32> to vector<512x1xf32>
    %slice3A_3 = vector.extract_strided_slice %get3A_2 {offsets = [1, 0, 0], sizes = [1, 512, 1], strides = [1, 1, 1]} : vector<2x512x128xf32> to vector<1x512x1xf32>
    %squeeze3A_4 = vector.shape_cast %slice3A_3 : vector<1x512x1xf32> to vector<512x1xf32>
    %add3A = arith.addf %squeeze3A, %squeeze3A_4 : vector<512x1xf32>
    %add3A_5 = arith.constant 1.000000e+00 : f32
    %add3A_6 = vector.broadcast %add3A_5 : f32 to vector<512x1xf32>
    %add3A_7 = arith.addf %add3A, %add3A_6 : vector<512x1xf32>
    %rsqrt3A = math.rsqrt %add3A_7 : vector<512x1xf32>
    %get3A_8 = arith.constant 0 : index
    %get3A_9 = arith.constant 0 : index
    %get3A_10 = arith.constant 0 : index
    %get3A_11 = vector.load %arg1[%get3A_8, %get3A_9, %get3A_10] : memref<2x512x128xf32, #tpu.memory_space<vmem>>, vector<2x512x128xf32>
    %slice3A_12 = vector.extract_strided_slice %get3A_11 {offsets = [0, 0, 0], sizes = [1, 512, 128], strides = [1, 1, 1]} : vector<2x512x128xf32> to vector<1x512x128xf32>
    %squeeze3A_13 = vector.shape_cast %slice3A_12 : vector<1x512x128xf32> to vector<512x128xf32>
    %slice3A_14 = vector.extract_strided_slice %get3A_11 {offsets = [1, 0, 0], sizes = [1, 512, 128], strides = [1, 1, 1]} : vector<2x512x128xf32> to vector<1x512x128xf32>
    %squeeze3A_15 = vector.shape_cast %slice3A_14 : vector<1x512x128xf32> to vector<512x128xf32>
    %add3A_16 = arith.addf %squeeze3A_13, %squeeze3A_15 : vector<512x128xf32>
    %get3A_17 = arith.constant 0 : index
    %get3A_18 = arith.constant 0 : index
    %get3A_19 = vector.load %arg2[%get3A_17, %get3A_18] : memref<512x128xf32, #tpu.memory_space<vmem>>, vector<512x128xf32>
    %add3A_20 = arith.addf %add3A_16, %get3A_19 : vector<512x128xf32>
    %mul3A = vector.broadcast %rsqrt3A : vector<512x1xf32> to vector<512x128xf32>
    %mul3A_21 = arith.mulf %mul3A, %add3A_20 : vector<512x128xf32>
    %get3A_22 = arith.constant 0 : index
    %get3A_23 = arith.constant 0 : index
    %get3A_24 = vector.load %arg4[%get3A_22, %get3A_23] : memref<1x128xf32, #tpu.memory_space<vmem>>, vector<1x128xf32>
    %add3A_25 = vector.broadcast %get3A_24 : vector<1x128xf32> to vector<512x128xf32>
    %add3A_26 = arith.addf %mul3A_21, %add3A_25 : vector<512x128xf32>
    %max3A = arith.constant 0.000000e+00 : f32
    %max3A_27 = vector.broadcast %max3A : f32 to vector<512x128xf32>
    %max3A_28 = arith.maximumf %add3A_26, %max3A_27 : vector<512x128xf32>
    %get3A_29 = arith.constant 0 : index
    %get3A_30 = arith.constant 0 : index
    %get3A_31 = vector.load %arg5[%get3A_29, %get3A_30] : memref<1x128xf32, #tpu.memory_space<vmem>>, vector<1x128xf32>
    %mul3A_32 = vector.broadcast %get3A_31 : vector<1x128xf32> to vector<512x128xf32>
    %mul3A_33 = arith.mulf %max3A_28, %mul3A_32 : vector<512x128xf32>
    %reduce_sum3A = arith.constant dense<0.000000e+00> : vector<512xf32>
    %reduce_sum3A_34 = vector.multi_reduction <add>, %mul3A_33, %reduce_sum3A [1] : vector<512x128xf32> to vector<512xf32>
    %broadcast_in_dim3A = vector.shape_cast %reduce_sum3A_34 : vector<512xf32> to vector<512x1xf32>
    %get3A_35 = arith.constant 0 : index
    %get3A_36 = arith.constant 0 : index
    %get3A_37 = vector.load %arg6[%get3A_35, %get3A_36] : memref<1x1xf32, #tpu.memory_space<vmem>>, vector<1x1xf32>
    %get3A_38 = vector.extract %get3A_37[0, 0] : f32 from vector<1x1xf32>
    %add3A_39 = vector.broadcast %get3A_38 : f32 to vector<512x1xf32>
    %add3A_40 = arith.addf %broadcast_in_dim3A, %add3A_39 : vector<512x1xf32>
    %swap3A = arith.constant 0 : index
    %swap3A_41 = arith.constant 0 : index
    %swap3A_42 = vector.load %arg7[%swap3A, %swap3A_41] : memref<512x1xf32, #tpu.memory_space<vmem>>, vector<512x1xf32>
    tpu.vector_store %arg7[%swap3A, %swap3A_41], %add3A_40 {strides = array<i32>} : memref<512x1xf32, #tpu.memory_space<vmem>>, vector<512x1xf32>,
    return
  }
  func.func @transform_0(%arg0: i32) -> (i32, i32, i32) {
    %c0_i32 = arith.constant 0 : i32
    %c0_i32_0 = arith.constant 0 : i32
    %c0_i32_1 = arith.constant 0 : i32
    return %c0_i32, %arg0, %c0_i32_0 : i32, i32, i32
  }
  func.func @transform_1(%arg0: i32) -> (i32, i32) {
    %c0_i32 = arith.constant 0 : i32
    %c0_i32_0 = arith.constant 0 : i32
    return %arg0, %c0_i32 : i32, i32
  }
  func.func @transform_2(%arg0: i32) -> (i32, i32, i32) {
    %c0_i32 = arith.constant 0 : i32
    %c0_i32_0 = arith.constant 0 : i32
    %c0_i32_1 = arith.constant 0 : i32
    return %c0_i32, %arg0, %c0_i32_0 : i32, i32, i32
  }
  func.func @transform_3(%arg0: i32) -> (i32, i32) {
    %c0_i32 = arith.constant 0 : i32
    %c0_i32_0 = arith.constant 0 : i32
    %c0_i32_1 = arith.constant 0 : i32
    return %c0_i32, %c0_i32_0 : i32, i32
  }
  func.func @transform_4(%arg0: i32) -> (i32, i32) {
    %c0_i32 = arith.constant 0 : i32
    %c0_i32_0 = arith.constant 0 : i32
    %c0_i32_1 = arith.constant 0 : i32
    return %c0_i32, %c0_i32_0 : i32, i32
  }
  func.func @transform_5(%arg0: i32) -> (i32, i32) {
    %c0_i32 = arith.constant 0 : i32
    %c0_i32_0 = arith.constant 0 : i32
    %c0_i32_1 = arith.constant 0 : i32
    return %c0_i32, %c0_i32_0 : i32, i32
  }
  func.func @transform_6(%arg0: i32) -> (i32, i32) {
    %c0_i32 = arith.constant 0 : i32
    %c0_i32_0 = arith.constant 0 : i32
    return %arg0, %c0_i32 : i32, i32
  }
}

</mosaic_0001>

<sc_bundles>
// kernel: kernel.12.cloned.1.call-start
scs
__scs_entry_jumppad:
0x0: {  	(pc) =	sbr.rel $0x88, $3  }
0x1: {  	(tag) =	ssettag $0x0;
	lr =	simm.s32 $0x1  }
0x2: {  	[smem:$0x3F99] =	sst lr;
	_ =	strace $0xD0000000  }
0x3: {  	_ = 	snop  }
0x4: {  	_ = 	snop  }
0x5: {  	_ = 	snop  }
0x6: {  	_ = 	snop  }
0x7: {  	_ = 	snop  }
__scs_overlays_trampoline_lowered:
0x8: {  	[smem:$0x3FA8] =	sst s0  }
0x9: {  	[smem:$0x3FA9] =	sst s1  }
0xa: {  	[smem:$0x3FAA] =	sst s2  }
0xb: {  	[smem:$0x3FAB] =	sst s3  }
0xc: {  	[smem:$0x3FAC] =	sst s4  }
0xd: {  	[smem:$0x3FAD] =	sst s5  }
0xe: {  	[smem:$0x3FAE] =	sst s6  }
0xf: {  	[smem:$0x3FAF] =	sst s7  }
0x10: {  	[smem:$0x3FB0] =	sst s8  }
0x11: {  	[smem:$0x3FB1] =	sst s9;
	s0 =	simm.s32 @!p0 $0x0  }
0x12: {  	s1 =	sld [smem:$0x3F97];
	s0 =	simm.s32 @p0 $0x1  }
0x13: {  	[smem:$0x3FB2] =	sst s0;
	s0 =	simm.s32 @!p1 $0x0  }
0x14: {  	s2 =	sld [smem:$0x3F96];
	s0 =	simm.s32 @p1 $0x1  }
0x15: {  	[smem:$0x3FB3] =	sst s0;
	s0 =	simm.s32 @!p2 $0x0  }
0x16: {  	s3 =	sld [smem:$0x3FDB];
	s0 =	simm.s32 @p2 $0x1  }
0x17: {  	s4 =	simm.s32 $0x1BF5;
	[smem:$0x3FB5] =	sst s0  }
0x18: {  	s0 =	sld [smem:$0x3F98];
	_ =	swait.ge [sflag:s4], $0x0  }
0x19: {  	s7 =	sld [smem:$0x3F99]  }
0x1a: {  	s8 =	sadd.s32 $0xFFFFE003, lr  }
0x1b: {  	s9 =	sadd.s32 $0xFFFFFEF7, lr;
	s5 =	simm.s32 $0xFFFFFFFF;
	p2 =	slt.u32 s8, $0xFFFFF086  }
0x1c: {  	p1 =	slt.u32 s9, $0xF7A;
	s5 =	simm.s32 @!p2 $0x0  }
0x1d: {  	s5 =	simm.s32 @p1 $0x1;
	p0 =	seq.s32 s7, s2  }
0x1e: {  	s7 =	smul.u32 @!p0 $0xF7A, s2;
	p2 =	seq.s32 @!p0 s5, $0x0  }
0x1f: {  	s9 =	smul.u32 $0xF7A, s1;
	s8 =	simm.s32 @!p0 $0x1BF5;
	p2 =	por !p2, p0  }
0x20: {  	[sflag:s8] =	ssyncset.s32 @!p0 $0xFFFFF086;
	s6 =	sadd.s32 @!p0 s3, s7;
	s7 =	simm.s32 @!p0 $0x108  }
0x21: {  	s3 =	sadd.s32 s3, s9;
	s6 =	sadd.s32 @!p0 $0x88, s6;
	s7 =	simm.s32 @p2 $0x1082  }
0x22: {  	[simem:s7], [sflag:s8] =	dma.local @!p0 [hbm:s6], $0xF7A  }
0x23: {  	s9 =	sor.u32 $0xD0000000, s2;
	s6 =	simm.s32 $0x108;
	_ =	swait.ge @!p0 [sflag:s8], $0x0  }
0x24: {  	s3 =	sadd.s32 $0x88, s3;
	s6 =	simm.s32 @!p1 $0x1082;
	[sflag:s4] =	ssyncset.s32 $0xFFFFF086  }
0x25: {  	[simem:s6], [sflag:s4] =	dma.local [hbm:s3], $0xF7A  }
0x26: {  	[smem:$0x3F99] =	sst s1;
	(tag) =	ssettag s2;
	_ =	strace s9  }
0x27: {  	s1 =	sld [smem:$0x3FA9]  }
0x28: {  	s2 =	sld [smem:$0x3FAA]  }
0x29: {  	s4 =	sld [smem:$0x3FAC]  }
0x2a: {  	p0 =	seq.s32 s5, $0x0;
	s5 =	sld [smem:$0x3FAD]  }
0x2b: {  	s6 =	sld [smem:$0x3FAE]  }
0x2c: {  	s7 =	sld [smem:$0x3FAF]  }
0x2d: {  	s3 =	simm.s32 $0x108;
	s8 =	sld [smem:$0x3FB0]  }
0x2e: {  	s3 =	simm.s32 @!p0 $0x1082;
	s9 =	sld [smem:$0x3FB1]  }
0x2f: {  	lr =	sadd.s32 s0, s3;
	s0 =	sld [smem:$0x3FA8]  }
0x30: {  	s3 =	sld [smem:$0x3FAB]  }
0x31: {  	[smem:$0x3FB4] =	sst s10  }
0x32: {  	s10 =	sld [smem:$0x3FB2];
	_ =	sdelay $0x3  }
0x33: {  	p0 =	seq.s32 s10, $0x1;
	s10 =	sld [smem:$0x3FB4];
	_ =	sdelay $0x3  }
0x34: {  	[smem:$0x3FB4] =	sst s10  }
0x35: {  	s10 =	sld [smem:$0x3FB3];
	_ =	sdelay $0x3  }
0x36: {  	p1 =	seq.s32 s10, $0x1;
	s10 =	sld [smem:$0x3FB4];
	_ =	sdelay $0x3  }
0x37: {  	[smem:$0x3FB4] =	sst s10  }
0x38: {  	s10 =	sld [smem:$0x3FB5]  }
0x39: {  	_ = 	snop;
	(pc) =	sbr.ind lr, $3  }
0x3a: {  	_ = 	snop  }
0x3b: {  	_ = 	snop  }
0x3c: {  	p2 =	seq.s32 s10, $0x1;
	s10 =	sld [smem:$0x3FB4]  }
0x3d: {  	_ =	shalt  }
0x3e: {  	_ =	shalt  }
0x3f: {  	_ =	shalt  }
0x40: {  	_ =	shalt  }
0x41: {  	_ =	shalt  }
0x42: {  	_ =	shalt  }
0x43: {  	_ =	shalt  }
0x44: {  	_ =	shalt  }
0x45: {  	_ =	shalt  }
0x46: {  	_ =	shalt  }
0x47: {  	_ =	shalt  }
0x48: {  	_ =	shalt  }
0x49: {  	_ =	shalt  }
0x4a: {  	_ =	shalt  }
0x4b: {  	_ =	shalt  }
0x4c: {  	_ =	shalt  }
0x4d: {  	_ =	shalt  }
0x4e: {  	_ =	shalt  }
0x4f: {  	_ =	shalt  }
0x50: {  	_ =	shalt  }
0x51: {  	_ =	shalt  }
0x52: {  	_ =	shalt  }
0x53: {  	_ =	shalt  }
0x54: {  	_ =	shalt  }
0x55: {  	_ =	shalt  }
0x56: {  	_ =	shalt  }
0x57: {  	_ =	shalt  }
0x58: {  	_ =	shalt  }
0x59: {  	_ =	shalt  }
0x5a: {  	_ =	shalt  }
0x5b: {  	_ =	shalt  }
0x5c: {  	_ =	shalt  }
0x5d: {  	_ =	shalt  }
0x5e: {  	_ =	shalt  }
0x5f: {  	_ =	shalt  }
0x60: {  	_ =	shalt  }
0x61: {  	_ =	shalt  }
0x62: {  	_ =	shalt  }
0x63: {  	_ =	shalt  }
0x64: {  	_ =	shalt  }
0x65: {  	_ =	shalt  }
0x66: {  	_ =	shalt  }
0x67: {  	_ =	shalt  }
0x68: {  	_ =	shalt  }
0x69: {  	_ =	shalt  }
0x6a: {  	_ =	shalt  }
0x6b: {  	_ =	shalt  }
0x6c: {  	_ =	shalt  }
0x6d: {  	_ =	shalt  }
0x6e: {  	_ =	shalt  }
0x6f: {  	_ =	shalt  }
0x70: {  	_ =	shalt  }
0x71: {  	_ =	shalt  }
0x72: {  	_ =	shalt  }
0x73: {  	_ =	shalt  }
0x74: {  	_ =	shalt  }
0x75: {  	_ =	shalt  }
0x76: {  	_ =	shalt  }
0x77: {  	_ =	shalt  }
0x78: {  	_ =	shalt  }
0x79: {  	_ =	shalt  }
0x7a: {  	_ =	shalt  }
0x7b: {  	_ =	shalt  }
0x7c: {  	_ =	shalt  }
0x7d: {  	_ =	shalt  }
0x7e: {  	_ =	shalt  }
0x7f: {  	_ =	shalt  }
0x80: {  	_ =	shalt  }
0x81: {  	_ =	shalt  }
0x82: {  	_ =	shalt  }
0x83: {  	_ =	shalt  }
0x84: {  	_ =	shalt  }
0x85: {  	_ =	shalt  }
0x86: {  	_ =	shalt  }
0x87: {  	_ =	shalt  }
.Lfunc_end0:
.L_simem_size_0:
called_computation.1_lowered:
.L_overlay_start_0:
0x88: {  	s2 =	sld [smem:$0x3FD9]  }
0x89: {  	s3 =	sld [smem:$0x3FFE];
	_ =	sdelay $0x1  }
0x8a: {  	s1 =	srdreg.scid  }
0x8b: {  	s0 =	sand.u32 $0x1, s1  }
0x8c: {  	s16 =	sshll.u32 s0, $0xA;
	s2 =	sadd.s32 s3, s2  }
0x8d: {  	s2 =	sadd.s32 s2, s16  }
0x8e: {  	[smem:$0x3FC0] =	sst s2  }
0x8f: {  	_ = 	snop  }
0x90: {  	(tm) =	ssettm $0x1  }
0x91: {  	s17 =	sld [smem:$0x3FFB];
	_ =	sdelay $0x3  }
0x92: {  	_ =	strace s17  }
0x93: {  	s2 =	sld [smem:$0x3FFC];
	_ =	sdelay $0x3  }
0x94: {  	_ =	strace s2  }
0x95: {  	s2 =	sld [smem:$0x3FFD];
	_ =	sdelay $0x3  }
0x96: {  	_ =	strace s2  }
0x97: {  	_ =	strace $0x8FFFFFFF  }
0x98: {  	s18 =	sld [smem:$0x3FDB];
	_ =	sdelay $0x1  }
0x99: {  	s19 =	simm.s32 $_scs_section_size  }
0x9a: {  	s4 =	simm.s32 $_size__tile_overlayer_lowered;
	s5 =	simm.s32 $_tile_overlayer_lowered  }
0x9b: {  	s22 =	simm.s32 $0x1BFF;
	s21 =	sshll.u32 s5, $0x1;
	s2 =	sadd.s32 s19, s18  }
0x9c: {  	s6 =	simm.s32 $0x0;
	s20 =	sshll.u32 s4, $0x1;
	s4 =	sadd.s32 s21, s2  }
0x9d: {  	[timem:s6], [sflag:s22] =	dma.local [hbm:s4], s20  }
0x9e: {  	_ =	swait.ge [sflag:s22], s20  }
0x9f: {  	s3 =	ssub.s32 $0x0, s20;
	[sflag:s22] =	ssyncset.done $0x0  }
0xa0: {  	[sflag:s22] =	ssyncadd.s32 s3;
	_ =	sdelay $0x1  }
0xa1: {  	s23 =	simm.s32 $0x1B8B  }
0xa2: {  	_ =	swait.ge [sflag:s23], $0x1  }
0xa3: {  	[sflag:s23] =	ssyncset.done $0x0  }
0xa4: {  	s25 =	simm.s32 $0x1B8E;
	s24 =	sld [smem:$0x3FFE];
	[sflag:s23] =	ssyncadd.s32 $0xFFFFFFFF  }
0xa5: {  	s26 =	simm.s32 $execute0_lowered;
	[smem:$0x3FD2] =	sst s25  }
0xa6: {  	s4 =	sshll.u32 s26, $0x1;
	_ =	strace $0x80000049;
	[dreg:$0x1] =	wrdreg $0xFFFFFFFF  }
0xa7: {  	s28 =	simm.s32 $_size_execute0_lowered;
	s2 =	sadd.s32 s2, s4;
	[dreg:$0x0] =	wrdreg $0x0  }
0xa8: {  	s4 =	sshll.u32 s28, $0x1;
	[dreg:$0x2] =	wrdreg s2  }
0xa9: {  	[dreg:$0x3] =	wrdreg s4  }
0xaa: {  	[dreg:$0x4] =	wrdreg $0xC0  }
0xab: {  	_ =	task [dreg:s6], $0x5FFFF  }
0xac: {  	[dreg:$0x1] =	wrdreg $0xFFFFFFFF  }
0xad: {  	[dreg:$0x0] =	wrdreg $0x60  }
0xae: {  	[dreg:$0x2] =	wrdreg s24  }
0xaf: {  	[dreg:$0x3] =	wrdreg $0x82000  }
0xb0: {  	[dreg:$0x4] =	wrdreg $0x9  }
0xb1: {  	_ =	task.clear_ibuf [dreg:s6], $0x5FFFF;
	_ =	strace $0x90000049  }
0xb2: {  	s29 =	simm.s32 $0x9;
	_ =	strace $0x8000004B  }
0xb3: {  	_ =	swait.ge [sflag:s29], $0x1  }
0xb4: {  	[sflag:s29] =	ssyncadd.s32 $0xFFFFFFFF  }
0xb5: {  	_ =	strace $0x9000004B  }
0xb6: {  	_ =	sfence  }
0xb7: {  	s30 =	sld [smem:$0x0];
	_ =	sdelay $0x2  }
0xb8: {  	s31 =	sshll.u32 s1, $0xD;
	s1 =	sshrl.u32 s1, $0x2  }
0xb9: {  	s3 =	sand.u32 $0x4000, s31;
	s1 =	sadd.s32 s1, s30  }
0xba: {  	s0 =	sor.u32 s3, s0;
	s1 =	sshll.u32 s1, $0x11  }
0xbb: {  	s0 =	sor.u32 s1, s0  }
0xbc: {  	s0 =	sadd.s32 $0x8F2B, s0  }
0xbd: {  	[sflag:s0] =	ssyncadd.remote.s32 $0x1  }
0xbe: {  	_ =	sfence.sel $0xFFFF  }
0xbf: {  	[dreg:$0x0] =	wrdreg $0xFFFFFFFF;
	(pc) =	sbr.abs _section_cstart, $3  }
0xc0: {  	[dreg:$0x1] =	wrdreg $0xFFFFFFFF  }
0xc1: {  	_ =	task.clear_ibuf [dreg:s6], $0x2FFFF;
	_ =	strace $0x9FFFFFFF  }
0xc2: {  	(tm) =	ssettm $0x7FFFFFFF  }
0xc3: {  	_ =	shalt  }
tec
execute0_lowered:
.L_overlay_start_1:
0x0: {  	(tag) =	ssettag $0x1  }
0x1: {  	s7 =	rddreg [dreg:$0x0];
	s1 =	stileid.u32  }
0x2: {  	s0 =	srdreg.scid;
	s6 =	smul.u32 $0x14000, s1  }
0x3: {  	s2 =	rddreg [dreg:$0x1];
	s15 =	smul.u32 $0x50000, s1  }
0x4: {  	s3 =	simm.s32 $0x0;
	s16 =	simm.s32 $0x50;
	s23 =	smul.u32 $0x4E0, s1  }
0x5: {  	s11 =	sand.u32 $0x1, s0;
	[smem:$0x7FF] =	sst s3;
	s25 =	smul.u32 $0x4E, s1  }
0x6: {  	s4 =	sadd.s32 $0x69200, s7;
	s21 =	sshll.u32 s1, $0x6;
	s5 =	smul.u32 $0x140000, s11  }
0x7: {  	_ =	strace $0x8000004A;
	s9 =	sshll.u32 s11, $0x4;
	s19 =	ssub.s32 $0x2, s11  }
0x8: {  	s24 =	smul.u32 $0x4E0, s11;
	s18 =	sor.u32 s1, s9;
	s13 =	sshrl.u32 s19, $0x1  }
0x9: {  	s20 =	sshrl.u32 s15, $0x2;
	s6 =	sadd.s32 s6, s5;
	s5 =	sadd.s32 $0x2800, s7  }
0xa: {  	s9 =	smul.u32 $0x4E, s18;
	s12 =	smin.u32 s18, $0x2;
	s13 =	ssub.s32 s19, s13  }
0xb: {  	p0 =	slt.u32 s18, $0x2;
	s15 =	sadd.s32 s20, s2;
	s18 =	smul.u32 $0x27000, s11  }
0xc: {  	s19 =	smul.u32 $0x2700, s1;
	s8 =	sshrl.u32 s6, $0x3;
	s6 =	sadd.s32 $0x16200, s7  }
0xd: {  	s14 =	sshll.u32 s12, $0x1;
	s16 =	simm.s32 @!p0 $0x4E;
	s28 =	sshll.u32 s12, $0x8  }
0xe: {  	s30 =	sshll.u32 s12, $0x5;
	s15 =	sshrl.u32 s15, $0x3;
	s10 =	sadd.s32 s8, s7  }
0xf: {  	s9 =	sadd.s32 s9, s14;
	s7 =	sor.u32 $0x1C03, s21;
	s21 =	smul.u32 $0x4E00, s11  }
0x10: {  	s11 =	smax.u32 s13, $0x1;
	s26 =	sadd.s32 s19, s18;
	s13 =	sadd.s32 s25, s24  }
0x11: {  	s18 =	simm.s32 $0x80;
	s19 =	simm.s32 $0x200;
	s24 =	simm.s32 $0x0  }
0x12: {  	s17 =	sshll.u32 s9, $0x7;
	s22 =	sshll.u32 s9, $0x4;
	s20 =	sadd.s32 s16, s9  }
0x13: {  	s10 =	sadd.s32 $0x91200, s10;
	s16 =	sshll.u32 s16, $0x7;
	s12 =	sadd.s32 s28, s26  }
0x14: {  	s14 =	sadd.s32 s14, s13;
	s8 =	sadd.s32 s5, s22;
	[dreg:$0x3] =	wrdreg s20  }
0x15: {  	s17 =	sadd.s32 $0x4E400, s17;
	[dreg:$0x4] =	wrdreg s16;
	s29 =	sadd.s32 s21, s5  }
0x16: {  	s14 =	sadd.s32 $0x2, s14;
	s16 =	simm.s32 $0x3;
	s17 =	sshrl.u32 s17, $0x3  }
0x17: {  	s20 =	simm.s32 $0x180;
	s9 =	sadd.s32 s5, s17;
	s17 =	sadd.s32 s23, s29  }
0x18: {  	s21 =	simm.s32 $0x4200;
	s22 =	simm.s32 $0x1;
	s31 =	sadd.s32 s30, s17  }
0x19: {  	s23 =	simm.s32 $0x2;
	s17 =	simm.s32 $0x100;
	s13 =	sadd.s32 $0x20, s31  }
.LBB2_1:
0x1a: {  	[spmem:s15], [sflag:s7] =	dma.local [hbm:s6], $0x2800  }
0x1b: {  	_ =	swait.ge [sflag:s16], $0x2800  }
0x1c: {  	[sflag:s16] =	ssyncset.done $0x0  }
0x1d: {  	[sflag:s16] =	ssyncadd.s32 $0xFFFFD800  }
0x1e: {  	[bflag:$0x0] =	sbarrier.arrive $0xFFFF  }
0x1f: {  	[tilespmem:s3], [sflag:$0x3] =	stream.linear.gather [hbm4b:s8+s3], $0x80, $0x38;
	[tilespmem:$0x1C200] =	vst v63  }
0x20: {  	_ =	swait.ge [sflag:s16], $0x80  }
0x21: {  	[sflag:s16] =	ssyncset.done $0x0  }
0x22: {  	[sflag:s16] =	ssyncadd.s32 $0xFFFFFF80  }
0x23: {  	[tilespmem:s17], [sflag:$0x3] =	stream.linear.gather [hbm4b:s9+s3], $0x80, $0x38;
	[tilespmem:$0x1C200] =	vst v63  }
0x24: {  	_ =	swait.ge [sflag:s16], $0x80  }
0x25: {  	s25 =	smov.u32 s14;
	[sflag:s16] =	ssyncset.done $0x0  }
0x26: {  	s26 =	smov.u32 s13;
	s28 =	simm.s32 $0x0;
	[sflag:s16] =	ssyncadd.s32 $0xFFFFFF80  }
0x27: {  	[tilespmem:s19], [sflag:$0x1] =	stream.indirect.gather [hbm4b:s4+s18], $0x80, s3, s18, $0xb8;
	[tilespmem:$0x1C200] =	vst v63  }
.LBB2_2:
0x28: {  	s29 =	sadd.s32 s28, s12  }
0x29: {  	s29 =	sand.u32 $0xFFFFFF00, s29  }
0x2a: {  	s30 =	sor.u32 $0x80, s29  }
0x2b: {  	s30 =	sshrl.u32 s30, $0x3  }
0x2c: {  	s30 =	sadd.s32 s5, s30  }
0x2d: {  	[tilespmem:s18], [sflag:$0x3] =	stream.linear.gather [hbm4b:s30+s3], $0x80, $0x38;
	[tilespmem:$0x1C200] =	vst v63  }
0x2e: {  	s29 =	sadd.s32 $0x4E480, s29;
	_ =	swait.ge [sflag:s16], $0x80  }
0x2f: {  	s29 =	sshrl.u32 s29, $0x3;
	[sflag:s16] =	ssyncset.done $0x0  }
0x30: {  	s29 =	sadd.s32 s5, s29;
	[sflag:s16] =	ssyncadd.s32 $0xFFFFFF80  }
0x31: {  	[tilespmem:s20], [sflag:$0x3] =	stream.linear.gather [hbm4b:s29+s3], $0x80, $0x38;
	[tilespmem:$0x1C200] =	vst v63  }
0x32: {  	_ =	swait.ge [sflag:s16], $0x80  }
0x33: {  	[sflag:s16] =	ssyncset.done $0x0  }
0x34: {  	[sflag:s16] =	ssyncadd.s32 $0xFFFFFF80  }
0x35: {  	[tilespmem:s21], [sflag:$0x2] =	stream.indirect.gather [hbm4b:s4+s18], $0x80, s18, s18, $0xb8;
	[tilespmem:$0x1C200] =	vst v63  }
0x36: {  	_ =	swait.ge [sflag:s22], $0x4000  }
0x37: {  	[sflag:s22] =	ssyncset.done $0x0  }
0x38: {  	[sflag:s22] =	ssyncadd.s32 $0xFFFFC000  }
0x39: {  	[spmem:s2] =	stream.indirect.scatter.add.f32 [tilespmem:s19], [sflag:$0x3], $0x80, s17, s18, $0xb8;
	[tilespmem:$0x1C200] =	vst v63  }
0x3a: {  	_ =	swait.ge [sflag:s16], $0x4000  }
0x3b: {  	s30 =	rddreg [dreg:$0x3]  }
0x3c: {  	p0 =	sge.u32 s25, s30  }
0x3d: {  	[sflag:s16] =	ssyncset.done $0x0;
	s29 =	sadd.s32 @!p0 s28, s12  }
0x3e: {  	[sflag:s16] =	ssyncadd.s32 $0xFFFFC000;
	s30 =	simm.s32 @!p0 $0x0;
	s29 =	sadd.s32 @!p0 $0x100, s29  }
0x3f: {  	[tilespmem:s30], [sflag:$0x3] =	stream.linear.gather @!p0 [hbm4b:s26+s30], $0x80, $0x38;
	[tilespmem:$0x1C200] =	vst v63  }
0x40: {  	s31 =	simm.s32 @!p0 $0x3;
	s29 =	sand.u32 @!p0 $0x7FFFFF00, s29  }
0x41: {  	_ =	swait.ge @!p0 [sflag:s31], $0x80;
	s29 =	sadd.s32 @!p0 $0x4E400, s29  }
0x42: {  	[sflag:s31] =	ssyncset.done @!p0 $0x0;
	s29 =	sshrl.u32 @!p0 s29, $0x3  }
0x43: {  	s0 =	simm.s32 @!p0 $0x100;
	[sflag:s31] =	ssyncadd.s32 @!p0 $0xFFFFFF80;
	s29 =	sadd.s32 @!p0 s5, s29  }
0x44: {  	[tilespmem:s0], [sflag:$0x3] =	stream.linear.gather @!p0 [hbm4b:s29+s30], $0x80, $0x38;
	[tilespmem:$0x1C200] =	vst v63  }
0x45: {  	_ =	swait.ge @!p0 [sflag:s31], $0x80  }
0x46: {  	[sflag:s31] =	ssyncset.done @!p0 $0x0  }
0x47: {  	s0 =	simm.s32 @!p0 $0x80;
	s29 =	simm.s32 @!p0 $0x200;
	[sflag:s31] =	ssyncadd.s32 @!p0 $0xFFFFFF80  }
0x48: {  	[tilespmem:s29], [sflag:$0x1] =	stream.indirect.gather @!p0 [hbm4b:s4+s0], $0x80, s30, s0, $0xb8;
	[tilespmem:$0x1C200] =	vst v63  }
0x49: {  	_ =	swait.ge [sflag:s23], $0x4000  }
0x4a: {  	[sflag:s23] =	ssyncset.done $0x0  }
0x4b: {  	[sflag:s23] =	ssyncadd.s32 $0xFFFFC000  }
0x4c: {  	[spmem:s2] =	stream.indirect.scatter.add.f32 [tilespmem:s21], [sflag:$0x3], $0x80, s20, s18, $0xb8;
	[tilespmem:$0x1C200] =	vst v63  }
0x4d: {  	_ =	swait.ge [sflag:s16], $0x4000  }
0x4e: {  	s28 =	sadd.s32 $0x100, s28;
	s31 =	rddreg [dreg:$0x4]  }
0x4f: {  	p0 =	sne.s32 s31, s28  }
.Ltmp0:
0x50: {  	_ = 	snop;
	(pc) =	sbr.rel @p0 .LBB2_2-.Ltmp0, $3  }
0x51: {  	_ =	sdelay $0x1  }
0x52: {  	[sflag:s16] =	ssyncset.done $0x0  }
0x53: {  	s25 =	sadd.s32 $0x2, s25;
	s26 =	sadd.s32 $0x20, s26;
	[sflag:s16] =	ssyncadd.s32 $0xFFFFC000  }
0x54: {  	s24 =	sadd.s32 $0x1, s24  }
0x55: {  	p0 =	sne.s32 s24, s11  }
.Ltmp1:
0x56: {  	[bflag:$0x0] =	sbarrier.arrive $0xFFFF;
	(pc) =	sbr.rel @p0 .LBB2_1-.Ltmp1, $4  }
0x57: {  	[hbm:s10], [sflag:s7] =	dma.local [spmem:s15], $0x2800  }
0x58: {  	_ =	swait.ge [sflag:s16], $0x2800  }
0x59: {  	[sflag:s16] =	ssyncset.done $0x0  }
0x5a: {  	[sflag:s16] =	ssyncadd.s32 $0xFFFFD800  }
0x5b: {  	_ =	sfence.sel $0x180000  }
0x5c: {  	[bflag:$0x0] =	sbarrier.arrive $0xFFFF  }
0x5d: {  	_ =	strace $0x9000004A  }
0x5e: {  	[bflag:$0x2] =	sbarrier.arrive $0xFFFF  }
0x5f: {  	p0 =	sne.s32 s1, $0x0;
	s0 =	rddreg [dreg:$0x2]  }
0x60: {  	s0 =	sadd.s32 @!p0 $0x100000, s0  }
0x61: {  	[sflag:s0] =	ssyncadd.tile.s32 @!p0 $0x1;
	_ =	shalt  }
.Lfunc_end2:
_tile_overlayer_lowered:
.L_overlay_start_2:
0x62: {  	(tag) =	ssettag $0x2  }
0x63: {  	s0 =	rddreg [dreg:$0x0];
	s2 =	stileid.u32  }
0x64: {  	s1 =	rddreg [dreg:$0x1];
	p0 =	sne.s32 s2, $0x0  }
0x65: {  	s3 =	rddreg [dreg:$0x2];
	[bflag:$0x3] =	sbarrier.arrive $0xFFFF;
	s2 =	simm.s32 @!p0 $0x1C03  }
0x66: {  	[timem:s3], [sflag:s2] =	dma.local @!p0 [hbm:s0], s1  }
0x67: {  	s0 =	simm.s32 @!p0 $0x3  }
0x68: {  	_ =	swait.ge @!p0 [sflag:s0], s1  }
0x69: {  	s1 =	ssub.s32 @!p0 $0x0, s1;
	[sflag:s0] =	ssyncset.done @!p0 $0x0  }
0x6a: {  	[sflag:s0] =	ssyncadd.s32 @!p0 s1  }
0x6b: {  	[bflag:$0x3] =	sbarrier.arrive $0xFFFF  }
0x6c: {  	_ =	shalt  }

// kernel: kernel.15.cloned.1.call-start
scs
__scs_entry_jumppad:
0x0: {  	(pc) =	sbr.rel $0x88, $3  }
0x1: {  	(tag) =	ssettag $0x0;
	lr =	simm.s32 $0x1  }
0x2: {  	[smem:$0x3F99] =	sst lr;
	_ =	strace $0xD0000000  }
0x3: {  	_ = 	snop  }
0x4: {  	_ = 	snop  }
0x5: {  	_ = 	snop  }
0x6: {  	_ = 	snop  }
0x7: {  	_ = 	snop  }
__scs_overlays_trampoline_lowered:
0x8: {  	[smem:$0x3FA8] =	sst s0  }
0x9: {  	[smem:$0x3FA9] =	sst s1  }
0xa: {  	[smem:$0x3FAA] =	sst s2  }
0xb: {  	[smem:$0x3FAB] =	sst s3  }
0xc: {  	[smem:$0x3FAC] =	sst s4  }
0xd: {  	[smem:$0x3FAD] =	sst s5  }
0xe: {  	[smem:$0x3FAE] =	sst s6  }
0xf: {  	[smem:$0x3FAF] =	sst s7  }
0x10: {  	[smem:$0x3FB0] =	sst s8  }
0x11: {  	[smem:$0x3FB1] =	sst s9;
	s0 =	simm.s32 @!p0 $0x0  }
0x12: {  	s1 =	sld [smem:$0x3F97];
	s0 =	simm.s32 @p0 $0x1  }
0x13: {  	[smem:$0x3FB2] =	sst s0;
	s0 =	simm.s32 @!p1 $0x0  }
0x14: {  	s2 =	sld [smem:$0x3F96];
	s0 =	simm.s32 @p1 $0x1  }
0x15: {  	[smem:$0x3FB3] =	sst s0;
	s0 =	simm.s32 @!p2 $0x0  }
0x16: {  	s3 =	sld [smem:$0x3FDB];
	s0 =	simm.s32 @p2 $0x1  }
0x17: {  	s4 =	simm.s32 $0x1BF5;
	[smem:$0x3FB5] =	sst s0  }
0x18: {  	s0 =	sld [smem:$0x3F98];
	_ =	swait.ge [sflag:s4], $0x0  }
0x19: {  	s7 =	sld [smem:$0x3F99]  }
0x1a: {  	s8 =	sadd.s32 $0xFFFFE003, lr  }
0x1b: {  	s9 =	sadd.s32 $0xFFFFFEF7, lr;
	s5 =	simm.s32 $0xFFFFFFFF;
	p2 =	slt.u32 s8, $0xFFFFF086  }
0x1c: {  	p1 =	slt.u32 s9, $0xF7A;
	s5 =	simm.s32 @!p2 $0x0  }
0x1d: {  	s5 =	simm.s32 @p1 $0x1;
	p0 =	seq.s32 s7, s2  }
0x1e: {  	s7 =	smul.u32 @!p0 $0xF7A, s2;
	p2 =	seq.s32 @!p0 s5, $0x0  }
0x1f: {  	s9 =	smul.u32 $0xF7A, s1;
	s8 =	simm.s32 @!p0 $0x1BF5;
	p2 =	por !p2, p0  }
0x20: {  	[sflag:s8] =	ssyncset.s32 @!p0 $0xFFFFF086;
	s6 =	sadd.s32 @!p0 s3, s7;
	s7 =	simm.s32 @!p0 $0x108  }
0x21: {  	s3 =	sadd.s32 s3, s9;
	s6 =	sadd.s32 @!p0 $0x88, s6;
	s7 =	simm.s32 @p2 $0x1082  }
0x22: {  	[simem:s7], [sflag:s8] =	dma.local @!p0 [hbm:s6], $0xF7A  }
0x23: {  	s9 =	sor.u32 $0xD0000000, s2;
	s6 =	simm.s32 $0x108;
	_ =	swait.ge @!p0 [sflag:s8], $0x0  }
0x24: {  	s3 =	sadd.s32 $0x88, s3;
	s6 =	simm.s32 @!p1 $0x1082;
	[sflag:s4] =	ssyncset.s32 $0xFFFFF086  }
0x25: {  	[simem:s6], [sflag:s4] =	dma.local [hbm:s3], $0xF7A  }
0x26: {  	[smem:$0x3F99] =	sst s1;
	(tag) =	ssettag s2;
	_ =	strace s9  }
0x27: {  	s1 =	sld [smem:$0x3FA9]  }
0x28: {  	s2 =	sld [smem:$0x3FAA]  }
0x29: {  	s4 =	sld [smem:$0x3FAC]  }
0x2a: {  	p0 =	seq.s32 s5, $0x0;
	s5 =	sld [smem:$0x3FAD]  }
0x2b: {  	s6 =	sld [smem:$0x3FAE]  }
0x2c: {  	s7 =	sld [smem:$0x3FAF]  }
0x2d: {  	s3 =	simm.s32 $0x108;
	s8 =	sld [smem:$0x3FB0]  }
0x2e: {  	s3 =	simm.s32 @!p0 $0x1082;
	s9 =	sld [smem:$0x3FB1]  }
0x2f: {  	lr =	sadd.s32 s0, s3;
	s0 =	sld [smem:$0x3FA8]  }
0x30: {  	s3 =	sld [smem:$0x3FAB]  }
0x31: {  	[smem:$0x3FB4] =	sst s10  }
0x32: {  	s10 =	sld [smem:$0x3FB2];
	_ =	sdelay $0x3  }
0x33: {  	p0 =	seq.s32 s10, $0x1;
	s10 =	sld [smem:$0x3FB4];
	_ =	sdelay $0x3  }
0x34: {  	[smem:$0x3FB4] =	sst s10  }
0x35: {  	s10 =	sld [smem:$0x3FB3];
	_ =	sdelay $0x3  }
0x36: {  	p1 =	seq.s32 s10, $0x1;
	s10 =	sld [smem:$0x3FB4];
	_ =	sdelay $0x3  }
0x37: {  	[smem:$0x3FB4] =	sst s10  }
0x38: {  	s10 =	sld [smem:$0x3FB5]  }
0x39: {  	_ = 	snop;
	(pc) =	sbr.ind lr, $3  }
0x3a: {  	_ = 	snop  }
0x3b: {  	_ = 	snop  }
0x3c: {  	p2 =	seq.s32 s10, $0x1;
	s10 =	sld [smem:$0x3FB4]  }
0x3d: {  	_ =	shalt  }
0x3e: {  	_ =	shalt  }
0x3f: {  	_ =	shalt  }
0x40: {  	_ =	shalt  }
0x41: {  	_ =	shalt  }
0x42: {  	_ =	shalt  }
0x43: {  	_ =	shalt  }
0x44: {  	_ =	shalt  }
0x45: {  	_ =	shalt  }
0x46: {  	_ =	shalt  }
0x47: {  	_ =	shalt  }
0x48: {  	_ =	shalt  }
0x49: {  	_ =	shalt  }
0x4a: {  	_ =	shalt  }
0x4b: {  	_ =	shalt  }
0x4c: {  	_ =	shalt  }
0x4d: {  	_ =	shalt  }
0x4e: {  	_ =	shalt  }
0x4f: {  	_ =	shalt  }
0x50: {  	_ =	shalt  }
0x51: {  	_ =	shalt  }
0x52: {  	_ =	shalt  }
0x53: {  	_ =	shalt  }
0x54: {  	_ =	shalt  }
0x55: {  	_ =	shalt  }
0x56: {  	_ =	shalt  }
0x57: {  	_ =	shalt  }
0x58: {  	_ =	shalt  }
0x59: {  	_ =	shalt  }
0x5a: {  	_ =	shalt  }
0x5b: {  	_ =	shalt  }
0x5c: {  	_ =	shalt  }
0x5d: {  	_ =	shalt  }
0x5e: {  	_ =	shalt  }
0x5f: {  	_ =	shalt  }
0x60: {  	_ =	shalt  }
0x61: {  	_ =	shalt  }
0x62: {  	_ =	shalt  }
0x63: {  	_ =	shalt  }
0x64: {  	_ =	shalt  }
0x65: {  	_ =	shalt  }
0x66: {  	_ =	shalt  }
0x67: {  	_ =	shalt  }
0x68: {  	_ =	shalt  }
0x69: {  	_ =	shalt  }
0x6a: {  	_ =	shalt  }
0x6b: {  	_ =	shalt  }
0x6c: {  	_ =	shalt  }
0x6d: {  	_ =	shalt  }
0x6e: {  	_ =	shalt  }
0x6f: {  	_ =	shalt  }
0x70: {  	_ =	shalt  }
0x71: {  	_ =	shalt  }
0x72: {  	_ =	shalt  }
0x73: {  	_ =	shalt  }
0x74: {  	_ =	shalt  }
0x75: {  	_ =	shalt  }
0x76: {  	_ =	shalt  }
0x77: {  	_ =	shalt  }
0x78: {  	_ =	shalt  }
0x79: {  	_ =	shalt  }
0x7a: {  	_ =	shalt  }
0x7b: {  	_ =	shalt  }
0x7c: {  	_ =	shalt  }
0x7d: {  	_ =	shalt  }
0x7e: {  	_ =	shalt  }
0x7f: {  	_ =	shalt  }
0x80: {  	_ =	shalt  }
0x81: {  	_ =	shalt  }
0x82: {  	_ =	shalt  }
0x83: {  	_ =	shalt  }
0x84: {  	_ =	shalt  }
0x85: {  	_ =	shalt  }
0x86: {  	_ =	shalt  }
0x87: {  	_ =	shalt  }
.Lfunc_end0:
.L_simem_size_0:
called_computation.2_lowered:
.L_overlay_start_0:
0x88: {  	s2 =	sld [smem:$0x3FD9]  }
0x89: {  	s3 =	sld [smem:$0x3FFE];
	_ =	sdelay $0x1  }
0x8a: {  	s1 =	srdreg.scid  }
0x8b: {  	s0 =	sand.u32 $0x1, s1  }
0x8c: {  	s16 =	sshll.u32 s0, $0xA;
	s2 =	sadd.s32 s3, s2  }
0x8d: {  	s2 =	sadd.s32 s2, s16  }
0x8e: {  	[smem:$0x3FC0] =	sst s2  }
0x8f: {  	_ = 	snop  }
0x90: {  	(tm) =	ssettm $0x1  }
0x91: {  	s17 =	sld [smem:$0x3FFB];
	_ =	sdelay $0x3  }
0x92: {  	_ =	strace s17  }
0x93: {  	s2 =	sld [smem:$0x3FFC];
	_ =	sdelay $0x3  }
0x94: {  	_ =	strace s2  }
0x95: {  	s2 =	sld [smem:$0x3FFD];
	_ =	sdelay $0x3  }
0x96: {  	_ =	strace s2  }
0x97: {  	_ =	strace $0x8FFFFFFF  }
0x98: {  	s18 =	sld [smem:$0x3FDB];
	_ =	sdelay $0x1  }
0x99: {  	s19 =	simm.s32 $_scs_section_size  }
0x9a: {  	s4 =	simm.s32 $_size__tile_overlayer_lowered;
	s5 =	simm.s32 $_tile_overlayer_lowered  }
0x9b: {  	s22 =	simm.s32 $0x1BFF;
	s21 =	sshll.u32 s5, $0x1;
	s2 =	sadd.s32 s19, s18  }
0x9c: {  	s6 =	simm.s32 $0x0;
	s20 =	sshll.u32 s4, $0x1;
	s4 =	sadd.s32 s21, s2  }
0x9d: {  	[timem:s6], [sflag:s22] =	dma.local [hbm:s4], s20  }
0x9e: {  	_ =	swait.ge [sflag:s22], s20  }
0x9f: {  	s3 =	ssub.s32 $0x0, s20;
	[sflag:s22] =	ssyncset.done $0x0  }
0xa0: {  	[sflag:s22] =	ssyncadd.s32 s3;
	_ =	sdelay $0x1  }
0xa1: {  	s23 =	simm.s32 $0x1B8B  }
0xa2: {  	_ =	swait.ge [sflag:s23], $0x1  }
0xa3: {  	[sflag:s23] =	ssyncset.done $0x0  }
0xa4: {  	s25 =	simm.s32 $0x1B8E;
	s24 =	sld [smem:$0x3FFE];
	[sflag:s23] =	ssyncadd.s32 $0xFFFFFFFF  }
0xa5: {  	s26 =	simm.s32 $execute0_lowered;
	[smem:$0x3FD2] =	sst s25  }
0xa6: {  	s4 =	sshll.u32 s26, $0x1;
	_ =	strace $0x8000004C;
	[dreg:$0x1] =	wrdreg $0xFFFFFFFF  }
0xa7: {  	s28 =	simm.s32 $_size_execute0_lowered;
	s2 =	sadd.s32 s2, s4;
	[dreg:$0x0] =	wrdreg $0x0  }
0xa8: {  	s4 =	sshll.u32 s28, $0x1;
	[dreg:$0x2] =	wrdreg s2  }
0xa9: {  	[dreg:$0x3] =	wrdreg s4  }
0xaa: {  	[dreg:$0x4] =	wrdreg $0xC0  }
0xab: {  	_ =	task [dreg:s6], $0x5FFFF  }
0xac: {  	[dreg:$0x1] =	wrdreg $0xFFFFFFFF  }
0xad: {  	[dreg:$0x0] =	wrdreg $0x60  }
0xae: {  	[dreg:$0x2] =	wrdreg s24  }
0xaf: {  	[dreg:$0x3] =	wrdreg $0x82000  }
0xb0: {  	[dreg:$0x4] =	wrdreg $0x9  }
0xb1: {  	_ =	task.clear_ibuf [dreg:s6], $0x5FFFF;
	_ =	strace $0x9000004C  }
0xb2: {  	s29 =	simm.s32 $0x9;
	_ =	strace $0x8000004E  }
0xb3: {  	_ =	swait.ge [sflag:s29], $0x1  }
0xb4: {  	[sflag:s29] =	ssyncadd.s32 $0xFFFFFFFF  }
0xb5: {  	_ =	strace $0x9000004E  }
0xb6: {  	_ =	sfence  }
0xb7: {  	s30 =	sld [smem:$0x0];
	_ =	sdelay $0x2  }
0xb8: {  	s31 =	sshll.u32 s1, $0xD;
	s1 =	sshrl.u32 s1, $0x2  }
0xb9: {  	s3 =	sand.u32 $0x4000, s31;
	s1 =	sadd.s32 s1, s30  }
0xba: {  	s0 =	sor.u32 s3, s0;
	s1 =	sshll.u32 s1, $0x11  }
0xbb: {  	s0 =	sor.u32 s1, s0  }
0xbc: {  	s0 =	sadd.s32 $0x8F2B, s0  }
0xbd: {  	[sflag:s0] =	ssyncadd.remote.s32 $0x1  }
0xbe: {  	_ =	sfence.sel $0xFFFF  }
0xbf: {  	[dreg:$0x0] =	wrdreg $0xFFFFFFFF;
	(pc) =	sbr.abs _section_cstart, $3  }
0xc0: {  	[dreg:$0x1] =	wrdreg $0xFFFFFFFF  }
0xc1: {  	_ =	task.clear_ibuf [dreg:s6], $0x2FFFF;
	_ =	strace $0x9FFFFFFF  }
0xc2: {  	(tm) =	ssettm $0x7FFFFFFF  }
0xc3: {  	_ =	shalt  }
tec
execute0_lowered:
.L_overlay_start_1:
0x0: {  	(tag) =	ssettag $0x1  }
0x1: {  	s7 =	rddreg [dreg:$0x0];
	s1 =	stileid.u32  }
0x2: {  	s0 =	srdreg.scid;
	s6 =	smul.u32 $0x14000, s1  }
0x3: {  	s2 =	rddreg [dreg:$0x1];
	s15 =	smul.u32 $0x50000, s1  }
0x4: {  	s3 =	simm.s32 $0x0;
	s16 =	simm.s32 $0x50;
	s23 =	smul.u32 $0x4E0, s1  }
0x5: {  	s11 =	sand.u32 $0x1, s0;
	[smem:$0x7FF] =	sst s3;
	s25 =	smul.u32 $0x4E, s1  }
0x6: {  	s4 =	sadd.s32 $0x69200, s7;
	s21 =	sshll.u32 s1, $0x6;
	s5 =	smul.u32 $0x140000, s11  }
0x7: {  	_ =	strace $0x8000004D;
	s9 =	sshll.u32 s11, $0x4;
	s19 =	ssub.s32 $0x2, s11  }
0x8: {  	s24 =	smul.u32 $0x4E0, s11;
	s18 =	sor.u32 s1, s9;
	s13 =	sshrl.u32 s19, $0x1  }
0x9: {  	s20 =	sshrl.u32 s15, $0x2;
	s6 =	sadd.s32 s6, s5;
	s5 =	sadd.s32 $0x2800, s7  }
0xa: {  	s9 =	smul.u32 $0x4E, s18;
	s12 =	smin.u32 s18, $0x2;
	s13 =	ssub.s32 s19, s13  }
0xb: {  	p0 =	slt.u32 s18, $0x2;
	s15 =	sadd.s32 s20, s2;
	s18 =	smul.u32 $0x27000, s11  }
0xc: {  	s19 =	smul.u32 $0x2700, s1;
	s8 =	sshrl.u32 s6, $0x3;
	s6 =	sadd.s32 $0x16200, s7  }
0xd: {  	s14 =	sshll.u32 s12, $0x1;
	s16 =	simm.s32 @!p0 $0x4E;
	s28 =	sshll.u32 s12, $0x8  }
0xe: {  	s30 =	sshll.u32 s12, $0x5;
	s15 =	sshrl.u32 s15, $0x3;
	s10 =	sadd.s32 s8, s7  }
0xf: {  	s9 =	sadd.s32 s9, s14;
	s7 =	sor.u32 $0x1C03, s21;
	s21 =	smul.u32 $0x4E00, s11  }
0x10: {  	s11 =	smax.u32 s13, $0x1;
	s26 =	sadd.s32 s19, s18;
	s13 =	sadd.s32 s25, s24  }
0x11: {  	s18 =	simm.s32 $0x80;
	s19 =	simm.s32 $0x200;
	s24 =	simm.s32 $0x0  }
0x12: {  	s17 =	sshll.u32 s9, $0x7;
	s22 =	sshll.u32 s9, $0x4;
	s20 =	sadd.s32 s16, s9  }
0x13: {  	s10 =	sadd.s32 $0x91200, s10;
	s16 =	sshll.u32 s16, $0x7;
	s12 =	sadd.s32 s28, s26  }
0x14: {  	s14 =	sadd.s32 s14, s13;
	s8 =	sadd.s32 s5, s22;
	[dreg:$0x3] =	wrdreg s20  }
0x15: {  	s17 =	sadd.s32 $0x4E400, s17;
	[dreg:$0x4] =	wrdreg s16;
	s29 =	sadd.s32 s21, s5  }
0x16: {  	s14 =	sadd.s32 $0x2, s14;
	s16 =	simm.s32 $0x3;
	s17 =	sshrl.u32 s17, $0x3  }
0x17: {  	s20 =	simm.s32 $0x180;
	s9 =	sadd.s32 s5, s17;
	s17 =	sadd.s32 s23, s29  }
0x18: {  	s21 =	simm.s32 $0x4200;
	s22 =	simm.s32 $0x1;
	s31 =	sadd.s32 s30, s17  }
0x19: {  	s23 =	simm.s32 $0x2;
	s17 =	simm.s32 $0x100;
	s13 =	sadd.s32 $0x20, s31  }
.LBB2_1:
0x1a: {  	[spmem:s15], [sflag:s7] =	dma.local [hbm:s6], $0x2800  }
0x1b: {  	_ =	swait.ge [sflag:s16], $0x2800  }
0x1c: {  	[sflag:s16] =	ssyncset.done $0x0  }
0x1d: {  	[sflag:s16] =	ssyncadd.s32 $0xFFFFD800  }
0x1e: {  	[bflag:$0x0] =	sbarrier.arrive $0xFFFF  }
0x1f: {  	[tilespmem:s3], [sflag:$0x3] =	stream.linear.gather [hbm4b:s8+s3], $0x80, $0x38;
	[tilespmem:$0x1C200] =	vst v63  }
0x20: {  	_ =	swait.ge [sflag:s16], $0x80  }
0x21: {  	[sflag:s16] =	ssyncset.done $0x0  }
0x22: {  	[sflag:s16] =	ssyncadd.s32 $0xFFFFFF80  }
0x23: {  	[tilespmem:s17], [sflag:$0x3] =	stream.linear.gather [hbm4b:s9+s3], $0x80, $0x38;
	[tilespmem:$0x1C200] =	vst v63  }
0x24: {  	_ =	swait.ge [sflag:s16], $0x80  }
0x25: {  	s25 =	smov.u32 s14;
	[sflag:s16] =	ssyncset.done $0x0  }
0x26: {  	s26 =	smov.u32 s13;
	s28 =	simm.s32 $0x0;
	[sflag:s16] =	ssyncadd.s32 $0xFFFFFF80  }
0x27: {  	[tilespmem:s19], [sflag:$0x1] =	stream.indirect.gather [hbm4b:s4+s18], $0x80, s3, s18, $0xb8;
	[tilespmem:$0x1C200] =	vst v63  }
.LBB2_2:
0x28: {  	s29 =	sadd.s32 s28, s12  }
0x29: {  	s29 =	sand.u32 $0xFFFFFF00, s29  }
0x2a: {  	s30 =	sor.u32 $0x80, s29  }
0x2b: {  	s30 =	sshrl.u32 s30, $0x3  }
0x2c: {  	s30 =	sadd.s32 s5, s30  }
0x2d: {  	[tilespmem:s18], [sflag:$0x3] =	stream.linear.gather [hbm4b:s30+s3], $0x80, $0x38;
	[tilespmem:$0x1C200] =	vst v63  }
0x2e: {  	s29 =	sadd.s32 $0x4E480, s29;
	_ =	swait.ge [sflag:s16], $0x80  }
0x2f: {  	s29 =	sshrl.u32 s29, $0x3;
	[sflag:s16] =	ssyncset.done $0x0  }
0x30: {  	s29 =	sadd.s32 s5, s29;
	[sflag:s16] =	ssyncadd.s32 $0xFFFFFF80  }
0x31: {  	[tilespmem:s20], [sflag:$0x3] =	stream.linear.gather [hbm4b:s29+s3], $0x80, $0x38;
	[tilespmem:$0x1C200] =	vst v63  }
0x32: {  	_ =	swait.ge [sflag:s16], $0x80  }
0x33: {  	[sflag:s16] =	ssyncset.done $0x0  }
0x34: {  	[sflag:s16] =	ssyncadd.s32 $0xFFFFFF80  }
0x35: {  	[tilespmem:s21], [sflag:$0x2] =	stream.indirect.gather [hbm4b:s4+s18], $0x80, s18, s18, $0xb8;
	[tilespmem:$0x1C200] =	vst v63  }
0x36: {  	_ =	swait.ge [sflag:s22], $0x4000  }
0x37: {  	[sflag:s22] =	ssyncset.done $0x0  }
0x38: {  	[sflag:s22] =	ssyncadd.s32 $0xFFFFC000  }
0x39: {  	[spmem:s2] =	stream.indirect.scatter.add.f32 [tilespmem:s19], [sflag:$0x3], $0x80, s17, s18, $0xb8;
	[tilespmem:$0x1C200] =	vst v63  }
0x3a: {  	_ =	swait.ge [sflag:s16], $0x4000  }
0x3b: {  	s30 =	rddreg [dreg:$0x3]  }
0x3c: {  	p0 =	sge.u32 s25, s30  }
0x3d: {  	[sflag:s16] =	ssyncset.done $0x0;
	s29 =	sadd.s32 @!p0 s28, s12  }
0x3e: {  	[sflag:s16] =	ssyncadd.s32 $0xFFFFC000;
	s30 =	simm.s32 @!p0 $0x0;
	s29 =	sadd.s32 @!p0 $0x100, s29  }
0x3f: {  	[tilespmem:s30], [sflag:$0x3] =	stream.linear.gather @!p0 [hbm4b:s26+s30], $0x80, $0x38;
	[tilespmem:$0x1C200] =	vst v63  }
0x40: {  	s31 =	simm.s32 @!p0 $0x3;
	s29 =	sand.u32 @!p0 $0x7FFFFF00, s29  }
0x41: {  	_ =	swait.ge @!p0 [sflag:s31], $0x80;
	s29 =	sadd.s32 @!p0 $0x4E400, s29  }
0x42: {  	[sflag:s31] =	ssyncset.done @!p0 $0x0;
	s29 =	sshrl.u32 @!p0 s29, $0x3  }
0x43: {  	s0 =	simm.s32 @!p0 $0x100;
	[sflag:s31] =	ssyncadd.s32 @!p0 $0xFFFFFF80;
	s29 =	sadd.s32 @!p0 s5, s29  }
0x44: {  	[tilespmem:s0], [sflag:$0x3] =	stream.linear.gather @!p0 [hbm4b:s29+s30], $0x80, $0x38;
	[tilespmem:$0x1C200] =	vst v63  }
0x45: {  	_ =	swait.ge @!p0 [sflag:s31], $0x80  }
0x46: {  	[sflag:s31] =	ssyncset.done @!p0 $0x0  }
0x47: {  	s0 =	simm.s32 @!p0 $0x80;
	s29 =	simm.s32 @!p0 $0x200;
	[sflag:s31] =	ssyncadd.s32 @!p0 $0xFFFFFF80  }
0x48: {  	[tilespmem:s29], [sflag:$0x1] =	stream.indirect.gather @!p0 [hbm4b:s4+s0], $0x80, s30, s0, $0xb8;
	[tilespmem:$0x1C200] =	vst v63  }
0x49: {  	_ =	swait.ge [sflag:s23], $0x4000  }
0x4a: {  	[sflag:s23] =	ssyncset.done $0x0  }
0x4b: {  	[sflag:s23] =	ssyncadd.s32 $0xFFFFC000  }
0x4c: {  	[spmem:s2] =	stream.indirect.scatter.add.f32 [tilespmem:s21], [sflag:$0x3], $0x80, s20, s18, $0xb8;
	[tilespmem:$0x1C200] =	vst v63  }
0x4d: {  	_ =	swait.ge [sflag:s16], $0x4000  }
0x4e: {  	s28 =	sadd.s32 $0x100, s28;
	s31 =	rddreg [dreg:$0x4]  }
0x4f: {  	p0 =	sne.s32 s31, s28  }
.Ltmp0:
0x50: {  	_ = 	snop;
	(pc) =	sbr.rel @p0 .LBB2_2-.Ltmp0, $3  }
0x51: {  	_ =	sdelay $0x1  }
0x52: {  	[sflag:s16] =	ssyncset.done $0x0  }
0x53: {  	s25 =	sadd.s32 $0x2, s25;
	s26 =	sadd.s32 $0x20, s26;
	[sflag:s16] =	ssyncadd.s32 $0xFFFFC000  }
0x54: {  	s24 =	sadd.s32 $0x1, s24  }
0x55: {  	p0 =	sne.s32 s24, s11  }
.Ltmp1:
0x56: {  	[bflag:$0x0] =	sbarrier.arrive $0xFFFF;
	(pc) =	sbr.rel @p0 .LBB2_1-.Ltmp1, $4  }
0x57: {  	[hbm:s10], [sflag:s7] =	dma.local [spmem:s15], $0x2800  }
0x58: {  	_ =	swait.ge [sflag:s16], $0x2800  }
0x59: {  	[sflag:s16] =	ssyncset.done $0x0  }
0x5a: {  	[sflag:s16] =	ssyncadd.s32 $0xFFFFD800  }
0x5b: {  	_ =	sfence.sel $0x180000  }
0x5c: {  	[bflag:$0x0] =	sbarrier.arrive $0xFFFF  }
0x5d: {  	_ =	strace $0x9000004D  }
0x5e: {  	[bflag:$0x2] =	sbarrier.arrive $0xFFFF  }
0x5f: {  	p0 =	sne.s32 s1, $0x0;
	s0 =	rddreg [dreg:$0x2]  }
0x60: {  	s0 =	sadd.s32 @!p0 $0x100000, s0  }
0x61: {  	[sflag:s0] =	ssyncadd.tile.s32 @!p0 $0x1;
	_ =	shalt  }
.Lfunc_end2:
_tile_overlayer_lowered:
.L_overlay_start_2:
0x62: {  	(tag) =	ssettag $0x2  }
0x63: {  	s0 =	rddreg [dreg:$0x0];
	s2 =	stileid.u32  }
0x64: {  	s1 =	rddreg [dreg:$0x1];
	p0 =	sne.s32 s2, $0x0  }
0x65: {  	s3 =	rddreg [dreg:$0x2];
	[bflag:$0x3] =	sbarrier.arrive $0xFFFF;
	s2 =	simm.s32 @!p0 $0x1C03  }
0x66: {  	[timem:s3], [sflag:s2] =	dma.local @!p0 [hbm:s0], s1  }
0x67: {  	s0 =	simm.s32 @!p0 $0x3  }
0x68: {  	_ =	swait.ge @!p0 [sflag:s0], s1  }
0x69: {  	s1 =	ssub.s32 @!p0 $0x0, s1;
	[sflag:s0] =	ssyncset.done @!p0 $0x0  }
0x6a: {  	[sflag:s0] =	ssyncadd.s32 @!p0 s1  }
0x6b: {  	[bflag:$0x3] =	sbarrier.arrive $0xFFFF  }
0x6c: {  	_ =	shalt  }

// kernel: kernel.9.cloned.1.call-start
scs
__scs_entry_jumppad:
0x0: {  	(pc) =	sbr.rel $0x88, $3  }
0x1: {  	(tag) =	ssettag $0x0;
	lr =	simm.s32 $0x1  }
0x2: {  	[smem:$0x3F99] =	sst lr;
	_ =	strace $0xD0000000  }
0x3: {  	_ = 	snop  }
0x4: {  	_ = 	snop  }
0x5: {  	_ = 	snop  }
0x6: {  	_ = 	snop  }
0x7: {  	_ = 	snop  }
__scs_overlays_trampoline_lowered:
0x8: {  	[smem:$0x3FA8] =	sst s0  }
0x9: {  	[smem:$0x3FA9] =	sst s1  }
0xa: {  	[smem:$0x3FAA] =	sst s2  }
0xb: {  	[smem:$0x3FAB] =	sst s3  }
0xc: {  	[smem:$0x3FAC] =	sst s4  }
0xd: {  	[smem:$0x3FAD] =	sst s5  }
0xe: {  	[smem:$0x3FAE] =	sst s6  }
0xf: {  	[smem:$0x3FAF] =	sst s7  }
0x10: {  	[smem:$0x3FB0] =	sst s8  }
0x11: {  	[smem:$0x3FB1] =	sst s9;
	s0 =	simm.s32 @!p0 $0x0  }
0x12: {  	s1 =	sld [smem:$0x3F97];
	s0 =	simm.s32 @p0 $0x1  }
0x13: {  	[smem:$0x3FB2] =	sst s0;
	s0 =	simm.s32 @!p1 $0x0  }
0x14: {  	s2 =	sld [smem:$0x3F96];
	s0 =	simm.s32 @p1 $0x1  }
0x15: {  	[smem:$0x3FB3] =	sst s0;
	s0 =	simm.s32 @!p2 $0x0  }
0x16: {  	s3 =	sld [smem:$0x3FDB];
	s0 =	simm.s32 @p2 $0x1  }
0x17: {  	s4 =	simm.s32 $0x1BF5;
	[smem:$0x3FB5] =	sst s0  }
0x18: {  	s0 =	sld [smem:$0x3F98];
	_ =	swait.ge [sflag:s4], $0x0  }
0x19: {  	s7 =	sld [smem:$0x3F99]  }
0x1a: {  	s8 =	sadd.s32 $0xFFFFE003, lr  }
0x1b: {  	s9 =	sadd.s32 $0xFFFFFEF7, lr;
	s5 =	simm.s32 $0xFFFFFFFF;
	p2 =	slt.u32 s8, $0xFFFFF086  }
0x1c: {  	p1 =	slt.u32 s9, $0xF7A;
	s5 =	simm.s32 @!p2 $0x0  }
0x1d: {  	s5 =	simm.s32 @p1 $0x1;
	p0 =	seq.s32 s7, s2  }
0x1e: {  	s7 =	smul.u32 @!p0 $0xF7A, s2;
	p2 =	seq.s32 @!p0 s5, $0x0  }
0x1f: {  	s9 =	smul.u32 $0xF7A, s1;
	s8 =	simm.s32 @!p0 $0x1BF5;
	p2 =	por !p2, p0  }
0x20: {  	[sflag:s8] =	ssyncset.s32 @!p0 $0xFFFFF086;
	s6 =	sadd.s32 @!p0 s3, s7;
	s7 =	simm.s32 @!p0 $0x108  }
0x21: {  	s3 =	sadd.s32 s3, s9;
	s6 =	sadd.s32 @!p0 $0x88, s6;
	s7 =	simm.s32 @p2 $0x1082  }
0x22: {  	[simem:s7], [sflag:s8] =	dma.local @!p0 [hbm:s6], $0xF7A  }
0x23: {  	s9 =	sor.u32 $0xD0000000, s2;
	s6 =	simm.s32 $0x108;
	_ =	swait.ge @!p0 [sflag:s8], $0x0  }
0x24: {  	s3 =	sadd.s32 $0x88, s3;
	s6 =	simm.s32 @!p1 $0x1082;
	[sflag:s4] =	ssyncset.s32 $0xFFFFF086  }
0x25: {  	[simem:s6], [sflag:s4] =	dma.local [hbm:s3], $0xF7A  }
0x26: {  	[smem:$0x3F99] =	sst s1;
	(tag) =	ssettag s2;
	_ =	strace s9  }
0x27: {  	s1 =	sld [smem:$0x3FA9]  }
0x28: {  	s2 =	sld [smem:$0x3FAA]  }
0x29: {  	s4 =	sld [smem:$0x3FAC]  }
0x2a: {  	p0 =	seq.s32 s5, $0x0;
	s5 =	sld [smem:$0x3FAD]  }
0x2b: {  	s6 =	sld [smem:$0x3FAE]  }
0x2c: {  	s7 =	sld [smem:$0x3FAF]  }
0x2d: {  	s3 =	simm.s32 $0x108;
	s8 =	sld [smem:$0x3FB0]  }
0x2e: {  	s3 =	simm.s32 @!p0 $0x1082;
	s9 =	sld [smem:$0x3FB1]  }
0x2f: {  	lr =	sadd.s32 s0, s3;
	s0 =	sld [smem:$0x3FA8]  }
0x30: {  	s3 =	sld [smem:$0x3FAB]  }
0x31: {  	[smem:$0x3FB4] =	sst s10  }
0x32: {  	s10 =	sld [smem:$0x3FB2];
	_ =	sdelay $0x3  }
0x33: {  	p0 =	seq.s32 s10, $0x1;
	s10 =	sld [smem:$0x3FB4];
	_ =	sdelay $0x3  }
0x34: {  	[smem:$0x3FB4] =	sst s10  }
0x35: {  	s10 =	sld [smem:$0x3FB3];
	_ =	sdelay $0x3  }
0x36: {  	p1 =	seq.s32 s10, $0x1;
	s10 =	sld [smem:$0x3FB4];
	_ =	sdelay $0x3  }
0x37: {  	[smem:$0x3FB4] =	sst s10  }
0x38: {  	s10 =	sld [smem:$0x3FB5]  }
0x39: {  	_ = 	snop;
	(pc) =	sbr.ind lr, $3  }
0x3a: {  	_ = 	snop  }
0x3b: {  	_ = 	snop  }
0x3c: {  	p2 =	seq.s32 s10, $0x1;
	s10 =	sld [smem:$0x3FB4]  }
0x3d: {  	_ =	shalt  }
0x3e: {  	_ =	shalt  }
0x3f: {  	_ =	shalt  }
0x40: {  	_ =	shalt  }
0x41: {  	_ =	shalt  }
0x42: {  	_ =	shalt  }
0x43: {  	_ =	shalt  }
0x44: {  	_ =	shalt  }
0x45: {  	_ =	shalt  }
0x46: {  	_ =	shalt  }
0x47: {  	_ =	shalt  }
0x48: {  	_ =	shalt  }
0x49: {  	_ =	shalt  }
0x4a: {  	_ =	shalt  }
0x4b: {  	_ =	shalt  }
0x4c: {  	_ =	shalt  }
0x4d: {  	_ =	shalt  }
0x4e: {  	_ =	shalt  }
0x4f: {  	_ =	shalt  }
0x50: {  	_ =	shalt  }
0x51: {  	_ =	shalt  }
0x52: {  	_ =	shalt  }
0x53: {  	_ =	shalt  }
0x54: {  	_ =	shalt  }
0x55: {  	_ =	shalt  }
0x56: {  	_ =	shalt  }
0x57: {  	_ =	shalt  }
0x58: {  	_ =	shalt  }
0x59: {  	_ =	shalt  }
0x5a: {  	_ =	shalt  }
0x5b: {  	_ =	shalt  }
0x5c: {  	_ =	shalt  }
0x5d: {  	_ =	shalt  }
0x5e: {  	_ =	shalt  }
0x5f: {  	_ =	shalt  }
0x60: {  	_ =	shalt  }
0x61: {  	_ =	shalt  }
0x62: {  	_ =	shalt  }
0x63: {  	_ =	shalt  }
0x64: {  	_ =	shalt  }
0x65: {  	_ =	shalt  }
0x66: {  	_ =	shalt  }
0x67: {  	_ =	shalt  }
0x68: {  	_ =	shalt  }
0x69: {  	_ =	shalt  }
0x6a: {  	_ =	shalt  }
0x6b: {  	_ =	shalt  }
0x6c: {  	_ =	shalt  }
0x6d: {  	_ =	shalt  }
0x6e: {  	_ =	shalt  }
0x6f: {  	_ =	shalt  }
0x70: {  	_ =	shalt  }
0x71: {  	_ =	shalt  }
0x72: {  	_ =	shalt  }
0x73: {  	_ =	shalt  }
0x74: {  	_ =	shalt  }
0x75: {  	_ =	shalt  }
0x76: {  	_ =	shalt  }
0x77: {  	_ =	shalt  }
0x78: {  	_ =	shalt  }
0x79: {  	_ =	shalt  }
0x7a: {  	_ =	shalt  }
0x7b: {  	_ =	shalt  }
0x7c: {  	_ =	shalt  }
0x7d: {  	_ =	shalt  }
0x7e: {  	_ =	shalt  }
0x7f: {  	_ =	shalt  }
0x80: {  	_ =	shalt  }
0x81: {  	_ =	shalt  }
0x82: {  	_ =	shalt  }
0x83: {  	_ =	shalt  }
0x84: {  	_ =	shalt  }
0x85: {  	_ =	shalt  }
0x86: {  	_ =	shalt  }
0x87: {  	_ =	shalt  }
.Lfunc_end0:
.L_simem_size_0:
called_computation_lowered:
.L_overlay_start_0:
0x88: {  	s2 =	sld [smem:$0x3FD9]  }
0x89: {  	s3 =	sld [smem:$0x3FFE];
	_ =	sdelay $0x1  }
0x8a: {  	s1 =	srdreg.scid  }
0x8b: {  	s0 =	sand.u32 $0x1, s1  }
0x8c: {  	s16 =	sshll.u32 s0, $0xA;
	s2 =	sadd.s32 s3, s2  }
0x8d: {  	s2 =	sadd.s32 s2, s16  }
0x8e: {  	[smem:$0x3FC0] =	sst s2  }
0x8f: {  	_ = 	snop  }
0x90: {  	(tm) =	ssettm $0x1  }
0x91: {  	s17 =	sld [smem:$0x3FFB];
	_ =	sdelay $0x3  }
0x92: {  	_ =	strace s17  }
0x93: {  	s2 =	sld [smem:$0x3FFC];
	_ =	sdelay $0x3  }
0x94: {  	_ =	strace s2  }
0x95: {  	s2 =	sld [smem:$0x3FFD];
	_ =	sdelay $0x3  }
0x96: {  	_ =	strace s2  }
0x97: {  	_ =	strace $0x8FFFFFFF  }
0x98: {  	s18 =	sld [smem:$0x3FDB];
	_ =	sdelay $0x1  }
0x99: {  	s19 =	simm.s32 $_scs_section_size  }
0x9a: {  	s4 =	simm.s32 $_size__tile_overlayer_lowered;
	s5 =	simm.s32 $_tile_overlayer_lowered  }
0x9b: {  	s22 =	simm.s32 $0x1BFF;
	s21 =	sshll.u32 s5, $0x1;
	s2 =	sadd.s32 s19, s18  }
0x9c: {  	s6 =	simm.s32 $0x0;
	s20 =	sshll.u32 s4, $0x1;
	s4 =	sadd.s32 s21, s2  }
0x9d: {  	[timem:s6], [sflag:s22] =	dma.local [hbm:s4], s20  }
0x9e: {  	_ =	swait.ge [sflag:s22], s20  }
0x9f: {  	s3 =	ssub.s32 $0x0, s20;
	[sflag:s22] =	ssyncset.done $0x0  }
0xa0: {  	[sflag:s22] =	ssyncadd.s32 s3;
	_ =	sdelay $0x1  }
0xa1: {  	s23 =	simm.s32 $0x1B8B  }
0xa2: {  	_ =	swait.ge [sflag:s23], $0x1  }
0xa3: {  	[sflag:s23] =	ssyncset.done $0x0  }
0xa4: {  	s25 =	simm.s32 $0x1B8E;
	s24 =	sld [smem:$0x3FFE];
	[sflag:s23] =	ssyncadd.s32 $0xFFFFFFFF  }
0xa5: {  	s26 =	simm.s32 $execute0_lowered;
	[smem:$0x3FD2] =	sst s25  }
0xa6: {  	s4 =	sshll.u32 s26, $0x1;
	_ =	strace $0x80000046;
	[dreg:$0x1] =	wrdreg $0xFFFFFFFF  }
0xa7: {  	s28 =	simm.s32 $_size_execute0_lowered;
	s2 =	sadd.s32 s2, s4;
	[dreg:$0x0] =	wrdreg $0x0  }
0xa8: {  	s4 =	sshll.u32 s28, $0x1;
	[dreg:$0x2] =	wrdreg s2  }
0xa9: {  	[dreg:$0x3] =	wrdreg s4  }
0xaa: {  	[dreg:$0x4] =	wrdreg $0xC0  }
0xab: {  	_ =	task [dreg:s6], $0x5FFFF  }
0xac: {  	[dreg:$0x1] =	wrdreg $0xFFFFFFFF  }
0xad: {  	[dreg:$0x0] =	wrdreg $0x60  }
0xae: {  	[dreg:$0x2] =	wrdreg s24  }
0xaf: {  	[dreg:$0x3] =	wrdreg $0x41000  }
0xb0: {  	[dreg:$0x4] =	wrdreg $0x9  }
0xb1: {  	_ =	task.clear_ibuf [dreg:s6], $0x5FFFF;
	_ =	strace $0x90000046  }
0xb2: {  	s29 =	simm.s32 $0x9;
	_ =	strace $0x80000048  }
0xb3: {  	_ =	swait.ge [sflag:s29], $0x1  }
0xb4: {  	[sflag:s29] =	ssyncadd.s32 $0xFFFFFFFF  }
0xb5: {  	_ =	strace $0x90000048  }
0xb6: {  	_ =	sfence  }
0xb7: {  	s30 =	sld [smem:$0x0];
	_ =	sdelay $0x2  }
0xb8: {  	s31 =	sshll.u32 s1, $0xD;
	s1 =	sshrl.u32 s1, $0x2  }
0xb9: {  	s3 =	sand.u32 $0x4000, s31;
	s1 =	sadd.s32 s1, s30  }
0xba: {  	s0 =	sor.u32 s3, s0;
	s1 =	sshll.u32 s1, $0x11  }
0xbb: {  	s0 =	sor.u32 s1, s0  }
0xbc: {  	s0 =	sadd.s32 $0x8F2B, s0  }
0xbd: {  	[sflag:s0] =	ssyncadd.remote.s32 $0x1  }
0xbe: {  	_ =	sfence.sel $0xFFFF  }
0xbf: {  	[dreg:$0x0] =	wrdreg $0xFFFFFFFF;
	(pc) =	sbr.abs _section_cstart, $3  }
0xc0: {  	[dreg:$0x1] =	wrdreg $0xFFFFFFFF  }
0xc1: {  	_ =	task.clear_ibuf [dreg:s6], $0x2FFFF;
	_ =	strace $0x9FFFFFFF  }
0xc2: {  	(tm) =	ssettm $0x7FFFFFFF  }
0xc3: {  	_ =	shalt  }
tec
execute0_lowered:
.L_overlay_start_1:
0x0: {  	(tag) =	ssettag $0x1  }
0x1: {  	s7 =	rddreg [dreg:$0x0];
	s2 =	srdreg.scid  }
0x2: {  	s1 =	rddreg [dreg:$0x1];
	s8 =	sand.u32 $0x1, s2  }
0x3: {  	s2 =	stileid.u32;
	s6 =	smul.u32 $0x140000, s8  }
0x4: {  	s0 =	rddreg [dreg:$0x2];
	s3 =	simm.s32 $0x0;
	s9 =	smul.u32 $0x14000, s2  }
0x5: {  	[smem:$0x7FF] =	sst s3;
	s24 =	smul.u32 $0x50000, s2  }
0x6: {  	s4 =	sadd.s32 $0x2800, s7;
	s5 =	sadd.s32 $0x18A00, s7;
	s17 =	smul.u32 $0x27000, s8  }
0x7: {  	_ =	strace $0x80000047;
	s10 =	sshll.u32 s8, $0x4;
	s19 =	smul.u32 $0x4E0, s8  }
0x8: {  	s21 =	ssub.s32 $0x2, s8;
	s29 =	sshll.u32 s2, $0x6;
	s30 =	smul.u32 $0x4E, s2  }
0x9: {  	s20 =	smul.u32 $0x2700, s2;
	s22 =	sor.u32 s2, s10;
	s23 =	sshrl.u32 s21, $0x1  }
0xa: {  	s9 =	sadd.s32 s9, s6;
	s6 =	sadd.s32 $0x16200, s7;
	s12 =	smul.u32 $0x4E, s22  }
0xb: {  	s13 =	smin.u32 s22, $0x2;
	s14 =	ssub.s32 s21, s23;
	p0 =	slt.u32 s22, $0x2  }
0xc: {  	s31 =	sadd.s32 s30, s19;
	s17 =	sadd.s32 s20, s17;
	s19 =	simm.s32 $0x1  }
0xd: {  	s20 =	simm.s32 $0x2;
	s21 =	simm.s32 $0x0;
	s9 =	sshrl.u32 s9, $0x3  }
0xe: {  	s15 =	sshll.u32 s13, $0x1;
	s13 =	sshll.u32 s13, $0x8;
	s11 =	sadd.s32 s9, s7  }
0xf: {  	s25 =	sadd.s32 s12, s15;
	s12 =	simm.s32 $0x50;
	s7 =	sshrl.u32 s24, $0x2  }
0x10: {  	s13 =	sadd.s32 s13, s17;
	s17 =	simm.s32 $0x100;
	s12 =	simm.s32 @!p0 $0x4E  }
0x11: {  	s26 =	sshll.u32 s25, $0x7;
	s16 =	sadd.s32 s7, s1;
	s7 =	sor.u32 $0x1C03, s29  }
0x12: {  	s10 =	sadd.s32 $0x19200, s11;
	s11 =	smax.u32 s14, $0x1;
	s14 =	sadd.s32 s15, s31  }
0x13: {  	s28 =	sadd.s32 $0x4E400, s26;
	s9 =	sadd.s32 s12, s25;
	s12 =	sshll.u32 s12, $0x7  }
0x14: {  	s14 =	sadd.s32 $0x2, s14;
	s15 =	sshrl.u32 s16, $0x3;
	s18 =	sshrl.u32 s28, $0x3  }
0x15: {  	s16 =	simm.s32 $0x3;
	s8 =	sadd.s32 s4, s18;
	s18 =	simm.s32 $0x80  }
.LBB2_1:
0x16: {  	[spmem:s15], [sflag:s7] =	dma.local [hbm:s6], $0x2800  }
0x17: {  	_ =	swait.ge [sflag:s16], $0x2800  }
0x18: {  	[sflag:s16] =	ssyncset.done $0x0  }
0x19: {  	p1 =	sne.s32 s12, $0x100;
	[sflag:s16] =	ssyncadd.s32 $0xFFFFD800  }
0x1a: {  	[tilespmem:s17], [sflag:$0x3] =	stream.linear.gather [hbm4b:s5+s3], $0x4000, $0x38;
	[tilespmem:$0x18100] =	vst v63  }
.Ltmp0:
0x1b: {  	_ =	swait.ge [sflag:s16], $0x4000;
	(pc) =	sbr.rel @!p1 .LBB2_2-.Ltmp0, $4  }
0x1c: {  	s22 =	sadd.s32 $0x0, s13;
	[sflag:s16] =	ssyncset.done $0x0  }
0x1d: {  	p0 =	por $0x0, $0x0;
	s23 =	sand.u32 $0xFFFFFF00, s22;
	[sflag:s16] =	ssyncadd.s32 $0xFFFFC000  }
0x1e: {  	s22 =	simm.s32 $0x100;
	s25 =	sadd.s32 $0x4E480, s23;
	[bflag:$0x0] =	sbarrier.arrive $0xFFFF  }
0x1f: {  	[tilespmem:s3], [sflag:$0x1] =	stream.linear.gather [hbm4b:s8+s3], $0x80, $0x38;
	[tilespmem:$0x18100] =	vst v63  }
0x20: {  	s23 =	sshrl.u32 s25, $0x3  }
0x21: {  	p0 =	sge.u32 s14, s9;
	s23 =	sadd.s32 s4, s23  }
0x22: {  	[tilespmem:s18], [sflag:$0x2] =	stream.linear.gather [hbm4b:s23+s3], $0x80, $0x38;
	[tilespmem:$0x18100] =	vst v63  }
0x23: {  	s23 =	sadd.s32 @!p0 $0x0, s13;
	_ =	swait.ge [sflag:s19], $0x80  }
0x24: {  	s23 =	sadd.s32 @!p0 $0x100, s23;
	[sflag:s19] =	ssyncset.done $0x0  }
0x25: {  	s23 =	sand.u32 @!p0 $0x7FFFFF00, s23;
	[sflag:s19] =	ssyncadd.s32 $0xFFFFFF80  }
0x26: {  	[spmem:s1] =	stream.indirect.scatter.add.f32 [tilespmem:s17], [sflag:$0x3], $0x80, s3, s18, $0xb8;
	[tilespmem:$0x18100] =	vst v63  }
0x27: {  	s23 =	sadd.s32 @!p0 $0x4E400, s23;
	_ =	swait.ge [sflag:s16], $0x4000  }
0x28: {  	p1 =	sne.s32 s12, $0x200;
	s23 =	sshrl.u32 @!p0 s23, $0x3;
	[sflag:s16] =	ssyncset.done $0x0  }
0x29: {  	s24 =	simm.s32 @!p0 $0x0;
	s23 =	sadd.s32 @!p0 s4, s23;
	[sflag:s16] =	ssyncadd.s32 $0xFFFFC000  }
0x2a: {  	[tilespmem:s24], [sflag:$0x1] =	stream.linear.gather @!p0 [hbm4b:s23+s24], $0x80, $0x38;
	[tilespmem:$0x18100] =	vst v63  }
.Ltmp1:
0x2b: {  	s31 =	sadd.s32 $0x100, s13;
	_ =	swait.ge [sflag:s20], $0x80;
	(pc) =	sbr.rel @!p1 .LBB2_5-.Ltmp1, $4  }
0x2c: {  	s23 =	sand.u32 $0xFFFFFF00, s31;
	[sflag:s20] =	ssyncset.done $0x0  }
0x2d: {  	s24 =	simm.s32 $0x200;
	p0 =	por $0x1, $0x1;
	[sflag:s20] =	ssyncadd.s32 $0xFFFFFF80  }
0x2e: {  	[spmem:s1] =	stream.indirect.scatter.add.f32 [tilespmem:s17], [sflag:$0x3], $0x80, s18, s18, $0xb8;
	[tilespmem:$0x18100] =	vst v63  }
0x2f: {  	s25 =	sadd.s32 $0x4E480, s23;
	s23 =	sadd.s32 $0x2, s14;
	_ =	swait.ge [sflag:s16], $0x4000  }
.LBB2_4:
0x30: {  	s25 =	sshrl.u32 s25, $0x3  }
0x31: {  	[sflag:s16] =	ssyncset.done $0x0;
	s26 =	smov.u32 s24;
	s24 =	sadd.s32 $0x100, s24  }
0x32: {  	p1 =	sne.s32 s12, s24;
	s25 =	sadd.s32 s4, s25;
	[sflag:s16] =	ssyncadd.s32 $0xFFFFC000  }
0x33: {  	[tilespmem:s18], [sflag:$0x2] =	stream.linear.gather [hbm4b:s25+s3], $0x80, $0x38;
	[tilespmem:$0x18100] =	vst v63  }
0x34: {  	p2 =	sge.u32 s23, s9;
	_ =	swait.ge [sflag:s19], $0x80  }
0x35: {  	s25 =	sadd.s32 @!p2 s22, s13;
	s22 =	smov.u32 s26;
	[sflag:s19] =	ssyncset.done $0x0  }
0x36: {  	s25 =	sadd.s32 @!p2 $0x100, s25;
	[sflag:s19] =	ssyncadd.s32 $0xFFFFFF80  }
0x37: {  	[spmem:s1] =	stream.indirect.scatter.add.f32 [tilespmem:s17], [sflag:$0x3], $0x80, s3, s18, $0xb8;
	[tilespmem:$0x18100] =	vst v63  }
0x38: {  	s25 =	sand.u32 @!p2 $0x7FFFFF00, s25;
	_ =	swait.ge [sflag:s16], $0x4000  }
0x39: {  	s25 =	sadd.s32 @!p2 $0x4E400, s25;
	[sflag:s16] =	ssyncset.done $0x0  }
0x3a: {  	s26 =	simm.s32 @!p2 $0x0;
	s25 =	sshrl.u32 @!p2 s25, $0x3;
	[sflag:s16] =	ssyncadd.s32 $0xFFFFC000  }
0x3b: {  	s25 =	sadd.s32 @!p2 s4, s25  }
0x3c: {  	[tilespmem:s26], [sflag:$0x1] =	stream.linear.gather @!p2 [hbm4b:s25+s26], $0x80, $0x38;
	[tilespmem:$0x18100] =	vst v63  }
.Ltmp2:
0x3d: {  	_ =	swait.ge [sflag:s20], $0x80;
	(pc) =	sbr.rel @p1 .LBB2_4-.Ltmp2, $4  }
0x3e: {  	s25 =	sadd.s32 s22, s13;
	[sflag:s20] =	ssyncset.done $0x0  }
0x3f: {  	s25 =	sand.u32 $0xFFFFFF00, s25;
	[sflag:s20] =	ssyncadd.s32 $0xFFFFFF80  }
0x40: {  	[spmem:s1] =	stream.indirect.scatter.add.f32 [tilespmem:s17], [sflag:$0x3], $0x80, s18, s18, $0xb8;
	[tilespmem:$0x18100] =	vst v63  }
0x41: {  	s23 =	sadd.s32 $0x2, s23;
	s25 =	sadd.s32 $0x4E480, s25;
	_ =	swait.ge [sflag:s16], $0x4000  }
.LBB2_5:
0x42: {  	s24 =	sshrl.u32 s25, $0x3;
	[sflag:s16] =	ssyncset.done @p0 $0x0  }
0x43: {  	s24 =	sadd.s32 s4, s24;
	[sflag:s16] =	ssyncadd.s32 @p0 $0xFFFFC000;
	p0 =	sge.u32 s23, s9  }
0x44: {  	[tilespmem:s18], [sflag:$0x2] =	stream.linear.gather [hbm4b:s24+s3], $0x80, $0x38;
	[tilespmem:$0x18100] =	vst v63  }
0x45: {  	s22 =	sadd.s32 @!p0 s22, s13;
	_ =	swait.ge [sflag:s19], $0x80  }
0x46: {  	s22 =	sadd.s32 @!p0 $0x100, s22;
	[sflag:s19] =	ssyncset.done $0x0  }
0x47: {  	s22 =	sand.u32 @!p0 $0x7FFFFF00, s22;
	[sflag:s19] =	ssyncadd.s32 $0xFFFFFF80  }
0x48: {  	[spmem:s1] =	stream.indirect.scatter.add.f32 [tilespmem:s17], [sflag:$0x3], $0x80, s3, s18, $0xb8;
	[tilespmem:$0x18100] =	vst v63  }
0x49: {  	s22 =	sadd.s32 @!p0 $0x4E400, s22;
	_ =	swait.ge [sflag:s16], $0x4000  }
0x4a: {  	s22 =	sshrl.u32 @!p0 s22, $0x3;
	[sflag:s16] =	ssyncset.done $0x0  }
0x4b: {  	s23 =	simm.s32 @!p0 $0x0;
	s22 =	sadd.s32 @!p0 s4, s22;
	[sflag:s16] =	ssyncadd.s32 $0xFFFFC000  }
0x4c: {  	[tilespmem:s23], [sflag:$0x1] =	stream.linear.gather @!p0 [hbm4b:s22+s23], $0x80, $0x38;
	[tilespmem:$0x18100] =	vst v63  }
0x4d: {  	_ =	swait.ge [sflag:s20], $0x80  }
0x4e: {  	[sflag:s20] =	ssyncset.done $0x0  }
0x4f: {  	[sflag:s20] =	ssyncadd.s32 $0xFFFFFF80  }
0x50: {  	[spmem:s1] =	stream.indirect.scatter.add.f32 [tilespmem:s17], [sflag:$0x3], $0x80, s18, s18, $0xb8;
	[tilespmem:$0x18100] =	vst v63  }
0x51: {  	_ =	swait.ge [sflag:s16], $0x4000  }
0x52: {  	[sflag:s16] =	ssyncset.done $0x0  }
0x53: {  	s21 =	sadd.s32 $0x1, s21;
	[sflag:s16] =	ssyncadd.s32 $0xFFFFC000  }
0x54: {  	p0 =	sne.s32 s21, s11;
	[bflag:$0x0] =	sbarrier.arrive $0xFFFF  }
0x55: {  	[hbm:s10], [sflag:s7] =	dma.local [spmem:s15], $0x2800  }
.Ltmp3:
0x56: {  	_ = 	snop;
	(pc) =	sbr.rel @p0 .LBB2_1-.Ltmp3, $4  }
.Ltmp4:
0x57: {  	_ = 	snop;
	(pc) =	sbr.rel @!p0 .LBB2_6-.Ltmp4, $4  }
0x58: {  	_ =	swait.ge [sflag:s16], $0x2800  }
0x59: {  	[sflag:s16] =	ssyncset.done $0x0  }
0x5a: {  	[sflag:s16] =	ssyncadd.s32 $0xFFFFD800  }
0x5b: {  	_ = 	snop  }
.LBB2_2:
.Ltmp5:
0x5c: {  	(pc) =	sbr.rel .LBB2_5-.Ltmp5, $2  }
0x5d: {  	_ =	sdelay $0x2  }
0x5e: {  	s23 =	smov.u32 s14;
	s22 =	simm.s32 $0x0  }
.LBB2_6:
0x5f: {  	_ =	sfence.sel $0x180000  }
0x60: {  	[bflag:$0x0] =	sbarrier.arrive $0xFFFF  }
0x61: {  	p0 =	sne.s32 s2, $0x0;
	_ =	strace $0x90000047  }
0x62: {  	s0 =	sadd.s32 @!p0 $0x100000, s0;
	[bflag:$0x2] =	sbarrier.arrive $0xFFFF  }
0x63: {  	[sflag:s0] =	ssyncadd.tile.s32 @!p0 $0x1;
	_ =	shalt  }
.Lfunc_end2:
_tile_overlayer_lowered:
.L_overlay_start_2:
0x64: {  	(tag) =	ssettag $0x2  }
0x65: {  	s0 =	rddreg [dreg:$0x0];
	s2 =	stileid.u32  }
0x66: {  	s1 =	rddreg [dreg:$0x1];
	p0 =	sne.s32 s2, $0x0  }
0x67: {  	s3 =	rddreg [dreg:$0x2];
	[bflag:$0x3] =	sbarrier.arrive $0xFFFF;
	s2 =	simm.s32 @!p0 $0x1C03  }
0x68: {  	[timem:s3], [sflag:s2] =	dma.local @!p0 [hbm:s0], s1  }
0x69: {  	s0 =	simm.s32 @!p0 $0x3  }
0x6a: {  	_ =	swait.ge @!p0 [sflag:s0], s1  }
0x6b: {  	s1 =	ssub.s32 @!p0 $0x0, s1;
	[sflag:s0] =	ssyncset.done @!p0 $0x0  }
0x6c: {  	[sflag:s0] =	ssyncadd.s32 @!p0 s1  }
0x6d: {  	[bflag:$0x3] =	sbarrier.arrive $0xFFFF  }
0x6e: {  	_ =	shalt  }

</sc_bundles>
